<compile_context>
chip_gen: v7x
topology: tpu7x:2x2x1
jax: 0.10.2.dev20260603
libtpu: 0.0.44.dev20260713+nightly
codegen_flags: <defaults>
</compile_context>

<pallas_src>
import functools

import jax
import jax.numpy as jnp
import numpy as np
from jax import lax
from jax.experimental import pallas as pl
from jax.experimental.pallas import tpu as pltpu
from jax.experimental.pallas import tpu_sc as plsc

_N = 1024
_K = 64
_B = 8
_NS = 32
_EPS_TERM = float(_B * _K * 1e-31)
_BIAS = float(_N * np.log(1.0 / _B))

_NBLK = 128

_NC = 2
_NSUB = 16
_NW = _NC * _NSUB
_NPT = _N // _NW

_LUT = np.log(np.arange(16, dtype=np.float64) + _EPS_TERM).astype(np.float32)




def _tc_index_body(sample_ref, logits_ref, comp_ref, ft_ref, g_ref):
    lg = logits_ref[...]
    kio = lax.broadcasted_iota(jnp.int32, (_NBLK, _B, _K), 2)
    mx = jnp.max(lg, axis=-1, keepdims=True)
    m = jnp.min(jnp.where(lg == mx, kio, _K), axis=-1)
    cp = comp_ref[...]
    c = jnp.sum(cp * kio.astype(jnp.float32), axis=-1).astype(jnp.int32)
    t = (c - m + _K) & (_K - 1)
    nio = lax.broadcasted_iota(jnp.int32, (_NBLK, _B), 0) % _NPT
    tt = t + (nio << 6)
    ft_ref[...] = jnp.transpose(tt)

    smp = sample_ref[...]
    kio_s = lax.broadcasted_iota(jnp.int32, (_NS, _NBLK, _K), 2)
    s = jnp.sum(smp * kio_s.astype(jnp.float32),
                axis=-1).astype(jnp.int32)
    nc = (lax.broadcasted_iota(jnp.int32, (_NBLK, _NS), 0) % _NPT) * _K
    g_ref[:, : _NS] = jnp.transpose(s) + nc


def _tc_index_stage(sample, logits, component_probs):
    return pl.pallas_call(
        _tc_index_body,
        grid=(_N // _NBLK,),
        in_specs=[
            pl.BlockSpec((_NS, _NBLK, _K), lambda i: (0, i, 0)),
            pl.BlockSpec((_NBLK, _B, _K), lambda i: (i, 0, 0)),
            pl.BlockSpec((_NBLK, _B, _K), lambda i: (i, 0, 0)),
        ],
        out_specs=[
            pl.BlockSpec((_B, _NBLK), lambda i: (0, i)),
            pl.BlockSpec((_NBLK, 128), lambda i: (i, 0)),
        ],
        out_shape=[
            jax.ShapeDtypeStruct((_B, _N), jnp.int32),
            jax.ShapeDtypeStruct((_N, 128), jnp.int32),
        ],
    )(sample, logits, component_probs)


def _sc_body(ft_hbm, g_hbm, lut_hbm, out_hbm,
             fv, gv, lut_v, tbl, acc_v, sem_f, sem_g, sem_l):
    cid = lax.axis_index("c")
    sid = lax.axis_index("s")
    wid = cid * _NSUB + sid

    n0 = wid * _NPT
    cps_f = [
        pltpu.async_copy(ft_hbm.at[b, pl.ds(n0, _NPT)],
                         fv.at[pl.ds(b * _NPT, _NPT)], sem_f)
        for b in range(_B)
    ]
    cp_g = pltpu.async_copy(g_hbm.at[pl.ds(wid * _NPT * 128, _NPT * 128)],
                            gv, sem_g)
    cp_l = pltpu.async_copy(lut_hbm, lut_v, sem_l)

    zeros = jnp.zeros((16,), jnp.float32)
    for i in range(_NPT * _K // 16):
        tbl[pl.ds(i * 16, 16)] = zeros

    for cp in cps_f:
        cp.wait()
    ones = jnp.ones((16,), jnp.float32)
    for b in range(_B):
        for h in range(_NPT // 16):
            idx = fv[pl.ds(b * _NPT + h * 16, 16)]
            plsc.addupdate_scatter(tbl, [idx], ones)

    cp_l.wait()
    cp_g.wait()
    acc0 = jnp.zeros((16,), jnp.float32)
    acc1 = jnp.zeros((16,), jnp.float32)
    for n in range(_NPT):
        g0 = gv[pl.ds(n * 128, 16)]
        g1 = gv[pl.ds(n * 128 + 16, 16)]
        c0 = plsc.load_gather(tbl, [g0]).astype(jnp.int32)
        c1 = plsc.load_gather(tbl, [g1]).astype(jnp.int32)
        acc0 = acc0 + plsc.load_gather(lut_v, [c0])
        acc1 = acc1 + plsc.load_gather(lut_v, [c1])
    acc_v[pl.ds(0, 16)] = acc0
    acc_v[pl.ds(16, 16)] = acc1
    pltpu.sync_copy(acc_v, out_hbm.at[wid])


def _sc_stage(ft2d, g_flat, lut):
    fn = pl.kernel(
        _sc_body,
        out_type=jax.ShapeDtypeStruct((_NW, _NS), jnp.float32),
        mesh=plsc.VectorSubcoreMesh(core_axis_name="c", subcore_axis_name="s",
                                    num_cores=_NC, num_subcores=_NSUB),
        scratch_types=[
            pltpu.VMEM((_B * _NPT,), jnp.int32),
            pltpu.VMEM((_NPT * 128,), jnp.int32),
            pltpu.VMEM((16,), jnp.float32),
            pltpu.VMEM((_NPT * _K,), jnp.float32),
            pltpu.VMEM((_NS,), jnp.float32),
            pltpu.SemaphoreType.DMA,
            pltpu.SemaphoreType.DMA,
            pltpu.SemaphoreType.DMA,
        ],
        compiler_params=pltpu.CompilerParams(needs_layout_passes=False),
    )
    return fn(ft2d, g_flat, lut)


@jax.jit
def kernel(sample, logits, component_probs):
    ft2d, g2d = _tc_index_stage(sample, logits, component_probs)
    lut = jnp.asarray(_LUT)
    partial = _sc_stage(ft2d, g2d.reshape(_N * 128), lut)
    return jnp.sum(partial, axis=0) + _BIAS

# --- scband reference (transcript-rebuilt; emitter-appended) ---
"""Pipeline reference for scband-factorized-discrete-flows-mixture-66056597012956 (READ-ONLY COPY).

The authoritative reference and input builder live on the scoring server;
editing this copy changes nothing except your own understanding.
"""

import jax, jax.numpy as jnp
import numpy as np

N = 1024
K = 64
B = 8
N_SAMPLES = 32
TEMPERATURE = 1.0
EPS_PROB = 1e-31


def one_hot_argmax(inputs, temperature):
    # straight-through hard one-hot of argmax with softmax surrogate gradient
    k = inputs.shape[-1]
    hard = jax.nn.one_hot(jnp.argmax(inputs, axis=-1), k, dtype=inputs.dtype)
    soft = jax.nn.softmax(inputs / temperature, axis=-1)
    return soft + jax.lax.stop_gradient(hard - soft)


def one_hot_add(sample, shift):
    # one-hot modular addition == circular convolution over the K axis.
    # Exact roll-matrix formulation (numerically exact, equivalent to the FFT form):
    # shift_matrix[n, b, v, u] = shift[n, b, (u - v) mod K]
    k = shift.shape[-1]
    shift_matrix = jnp.stack([jnp.roll(shift, i, axis=-1) for i in range(k)], axis=-2)  # [N, B, K, K]
    # sample: [n, N, K] broadcast against per-(N,B) shift matrices -> [n, N, B, K]
    return jnp.einsum('anv,nbvu->anbu', sample, shift_matrix)


def setup_inputs(seed: int = 0) -> dict:
    key = jax.random.key(seed)
    k1, k2, k3 = jax.random.split(key, 3)
    # sample: batch of one-hot discrete samples, [n, N, K]
    sample_idx = jax.random.randint(k1, (N_SAMPLES, N), 0, K)
    sample = jax.nn.one_hot(sample_idx, K, dtype=jnp.float32)
    # learned flow logits variable, [N, B, K]
    logits = jax.random.normal(k2, (N, B, K), dtype=jnp.float32)
    # component OneHotCategorical probs (one-hot rows, as in __init__), [N, B, K]
    comp_idx = jax.random.randint(k3, (N, B), 0, K)
    component_probs = jax.nn.one_hot(comp_idx, K, dtype=jnp.float32)
    return {"sample": sample, "logits": logits, "component_probs": component_probs}


def reference(sample, logits, component_probs):
    # Faithful translation of FactorizedDiscreteFlowsMixture.log_prob
    b = component_probs.shape[-2]
    shift = one_hot_argmax(logits, TEMPERATURE)                      # [N, B, K]
    shifted = one_hot_add(sample, shift)                             # [n, N, B, K]
    prob = jnp.sum(component_probs[None] * shifted + EPS_PROB, axis=-1)  # [n, N, B]
    log_prob = jnp.log(prob) + np.log(1.0 / b)
    log_prob = jax.scipy.special.logsumexp(log_prob, axis=-1)        # [n, N]
    return jnp.sum(log_prob, axis=-1)                                # [n]

if __name__ == "__main__":
    import jax
    _d = setup_inputs()
    print(jax.jit(kernel)(*tuple(_d.values())))

</pallas_src>

<mosaic_0001>
#map = affine_map<(d0, d1) -> (0, 0)>
#map1 = affine_map<(d0, d1) -> (0)>
module attributes {stable_mosaic.version = 14 : i64} {
  func.func @_sc_body(%arg0: i32, %arg1: i32, %arg2: memref<8x1024xi32, #tpu.memory_space<hbm>>, %arg3: memref<131072xi32, #tpu.memory_space<hbm>>, %arg4: memref<16xf32, #tpu.memory_space<hbm>>, %arg5: memref<32x32xf32, #tpu.memory_space<hbm>>, %arg6: memref<256xi32, #tpu.memory_space<vmem>>, %arg7: memref<4096xi32, #tpu.memory_space<vmem>>, %arg8: memref<16xf32, #tpu.memory_space<vmem>>, %arg9: memref<2048xf32, #tpu.memory_space<vmem>>, %arg10: memref<32xf32, #tpu.memory_space<vmem>>, %arg11: memref<!tpu.dma_semaphore, #tpu.memory_space<semaphore_mem>>, %arg12: memref<!tpu.dma_semaphore, #tpu.memory_space<semaphore_mem>>, %arg13: memref<!tpu.dma_semaphore, #tpu.memory_space<semaphore_mem>>) attributes {dimension_semantics = [#tpu.dimension_semantics<core_parallel>, #tpu.dimension_semantics<subcore_parallel>], iteration_bounds = array<i64: 2, 16>, scalar_prefetch = 0 : i64, scratch_operands = 8 : i64, tpu.core_type = #tpu.core_type<sc_vector_subcore>, window_params = [{transform_indices = #map}, {transform_indices = #map1}, {transform_indices = #map1}, {transform_indices = #map}]} {
    %mul3A = arith.constant 16 : i32
    %mul3A_0 = arith.muli %arg0, %mul3A : i32
    %add3A = arith.addi %mul3A_0, %arg1 : i32
    %mul3A_1 = arith.constant 32 : i32
    %mul3A_2 = arith.muli %add3A, %mul3A_1 : i32
    %dma_start3A = arith.constant 0 : i32
    %dma_start3A_3 = arith.constant 0 : i32
    %dma_start3A_4 = tpu.memref_slice %arg6[%dma_start3A_3] : memref<256xi32, #tpu.memory_space<vmem>> -> memref<32xi32, #tpu.memory_space<vmem>>
    %dma_start3A_5 = tpu.memref_slice %arg2[%dma_start3A, %mul3A_2] : memref<8x1024xi32, #tpu.memory_space<hbm>> -> memref<1x32xi32, #tpu.memory_space<hbm>>
    %dma_start3A_6 = tpu.memref_squeeze %dma_start3A_5 : memref<1x32xi32, #tpu.memory_space<hbm>> -> memref<32xi32, #tpu.memory_space<hbm>>
    %dma_start3A_7 = arith.constant 0 : i32
    %dma_start3A_8 = tpu.memref_slice %arg6[%dma_start3A_7] : memref<256xi32, #tpu.memory_space<vmem>> -> memref<32xi32, #tpu.memory_space<vmem>>
    %dma_start3A_9 = tpu.memref_slice %arg2[%dma_start3A, %mul3A_2] : memref<8x1024xi32, #tpu.memory_space<hbm>> -> memref<1x32xi32, #tpu.memory_space<hbm>>
    %dma_start3A_10 = tpu.memref_squeeze %dma_start3A_9 : memref<1x32xi32, #tpu.memory_space<hbm>> -> memref<32xi32, #tpu.memory_space<hbm>>
    tpu.enqueue_dma source(%dma_start3A_10 : memref<32xi32, #tpu.memory_space<hbm>>) target(%dma_start3A_8 : memref<32xi32, #tpu.memory_space<vmem>>) target_semaphore(%arg11 : memref<!tpu.dma_semaphore, #tpu.memory_space<semaphore_mem>>)
    %dma_start3A_11 = arith.constant 1 : i32
    %dma_start3A_12 = arith.constant 32 : i32
    %dma_start3A_13 = tpu.memref_slice %arg6[%dma_start3A_12] : memref<256xi32, #tpu.memory_space<vmem>> -> memref<32xi32, #tpu.memory_space<vmem>>
    %dma_start3A_14 = tpu.memref_slice %arg2[%dma_start3A_11, %mul3A_2] : memref<8x1024xi32, #tpu.memory_space<hbm>> -> memref<1x32xi32, #tpu.memory_space<hbm>>
    %dma_start3A_15 = tpu.memref_squeeze %dma_start3A_14 : memref<1x32xi32, #tpu.memory_space<hbm>> -> memref<32xi32, #tpu.memory_space<hbm>>
    %dma_start3A_16 = arith.constant 32 : i32
    %dma_start3A_17 = tpu.memref_slice %arg6[%dma_start3A_16] : memref<256xi32, #tpu.memory_space<vmem>> -> memref<32xi32, #tpu.memory_space<vmem>>
    %dma_start3A_18 = tpu.memref_slice %arg2[%dma_start3A_11, %mul3A_2] : memref<8x1024xi32, #tpu.memory_space<hbm>> -> memref<1x32xi32, #tpu.memory_space<hbm>>
    %dma_start3A_19 = tpu.memref_squeeze %dma_start3A_18 : memref<1x32xi32, #tpu.memory_space<hbm>> -> memref<32xi32, #tpu.memory_space<hbm>>
    tpu.enqueue_dma source(%dma_start3A_19 : memref<32xi32, #tpu.memory_space<hbm>>) target(%dma_start3A_17 : memref<32xi32, #tpu.memory_space<vmem>>) target_semaphore(%arg11 : memref<!tpu.dma_semaphore, #tpu.memory_space<semaphore_mem>>)
    %dma_start3A_20 = arith.constant 2 : i32
    %dma_start3A_21 = arith.constant 64 : i32
    %dma_start3A_22 = tpu.memref_slice %arg6[%dma_start3A_21] : memref<256xi32, #tpu.memory_space<vmem>> -> memref<32xi32, #tpu.memory_space<vmem>>
    %dma_start3A_23 = tpu.memref_slice %arg2[%dma_start3A_20, %mul3A_2] : memref<8x1024xi32, #tpu.memory_space<hbm>> -> memref<1x32xi32, #tpu.memory_space<hbm>>
    %dma_start3A_24 = tpu.memref_squeeze %dma_start3A_23 : memref<1x32xi32, #tpu.memory_space<hbm>> -> memref<32xi32, #tpu.memory_space<hbm>>
    %dma_start3A_25 = arith.constant 64 : i32
    %dma_start3A_26 = tpu.memref_slice %arg6[%dma_start3A_25] : memref<256xi32, #tpu.memory_space<vmem>> -> memref<32xi32, #tpu.memory_space<vmem>>
    %dma_start3A_27 = tpu.memref_slice %arg2[%dma_start3A_20, %mul3A_2] : memref<8x1024xi32, #tpu.memory_space<hbm>> -> memref<1x32xi32, #tpu.memory_space<hbm>>
    %dma_start3A_28 = tpu.memref_squeeze %dma_start3A_27 : memref<1x32xi32, #tpu.memory_space<hbm>> -> memref<32xi32, #tpu.memory_space<hbm>>
    tpu.enqueue_dma source(%dma_start3A_28 : memref<32xi32, #tpu.memory_space<hbm>>) target(%dma_start3A_26 : memref<32xi32, #tpu.memory_space<vmem>>) target_semaphore(%arg11 : memref<!tpu.dma_semaphore, #tpu.memory_space<semaphore_mem>>)
    %dma_start3A_29 = arith.constant 3 : i32
    %dma_start3A_30 = arith.constant 96 : i32
    %dma_start3A_31 = tpu.memref_slice %arg6[%dma_start3A_30] : memref<256xi32, #tpu.memory_space<vmem>> -> memref<32xi32, #tpu.memory_space<vmem>>
    %dma_start3A_32 = tpu.memref_slice %arg2[%dma_start3A_29, %mul3A_2] : memref<8x1024xi32, #tpu.memory_space<hbm>> -> memref<1x32xi32, #tpu.memory_space<hbm>>
    %dma_start3A_33 = tpu.memref_squeeze %dma_start3A_32 : memref<1x32xi32, #tpu.memory_space<hbm>> -> memref<32xi32, #tpu.memory_space<hbm>>
    %dma_start3A_34 = arith.constant 96 : i32
    %dma_start3A_35 = tpu.memref_slice %arg6[%dma_start3A_34] : memref<256xi32, #tpu.memory_space<vmem>> -> memref<32xi32, #tpu.memory_space<vmem>>
    %dma_start3A_36 = tpu.memref_slice %arg2[%dma_start3A_29, %mul3A_2] : memref<8x1024xi32, #tpu.memory_space<hbm>> -> memref<1x32xi32, #tpu.memory_space<hbm>>
    %dma_start3A_37 = tpu.memref_squeeze %dma_start3A_36 : memref<1x32xi32, #tpu.memory_space<hbm>> -> memref<32xi32, #tpu.memory_space<hbm>>
    tpu.enqueue_dma source(%dma_start3A_37 : memref<32xi32, #tpu.memory_space<hbm>>) target(%dma_start3A_35 : memref<32xi32, #tpu.memory_space<vmem>>) target_semaphore(%arg11 : memref<!tpu.dma_semaphore, #tpu.memory_space<semaphore_mem>>)
    %dma_start3A_38 = arith.constant 4 : i32
    %dma_start3A_39 = arith.constant 128 : i32
    %dma_start3A_40 = tpu.memref_slice %arg6[%dma_start3A_39] : memref<256xi32, #tpu.memory_space<vmem>> -> memref<32xi32, #tpu.memory_space<vmem>>
    %dma_start3A_41 = tpu.memref_slice %arg2[%dma_start3A_38, %mul3A_2] : memref<8x1024xi32, #tpu.memory_space<hbm>> -> memref<1x32xi32, #tpu.memory_space<hbm>>
    %dma_start3A_42 = tpu.memref_squeeze %dma_start3A_41 : memref<1x32xi32, #tpu.memory_space<hbm>> -> memref<32xi32, #tpu.memory_space<hbm>>
    %dma_start3A_43 = arith.constant 128 : i32
    %dma_start3A_44 = tpu.memref_slice %arg6[%dma_start3A_43] : memref<256xi32, #tpu.memory_space<vmem>> -> memref<32xi32, #tpu.memory_space<vmem>>
    %dma_start3A_45 = tpu.memref_slice %arg2[%dma_start3A_38, %mul3A_2] : memref<8x1024xi32, #tpu.memory_space<hbm>> -> memref<1x32xi32, #tpu.memory_space<hbm>>
    %dma_start3A_46 = tpu.memref_squeeze %dma_start3A_45 : memref<1x32xi32, #tpu.memory_space<hbm>> -> memref<32xi32, #tpu.memory_space<hbm>>
    tpu.enqueue_dma source(%dma_start3A_46 : memref<32xi32, #tpu.memory_space<hbm>>) target(%dma_start3A_44 : memref<32xi32, #tpu.memory_space<vmem>>) target_semaphore(%arg11 : memref<!tpu.dma_semaphore, #tpu.memory_space<semaphore_mem>>)
    %dma_start3A_47 = arith.constant 5 : i32
    %dma_start3A_48 = arith.constant 160 : i32
    %dma_start3A_49 = tpu.memref_slice %arg6[%dma_start3A_48] : memref<256xi32, #tpu.memory_space<vmem>> -> memref<32xi32, #tpu.memory_space<vmem>>
    %dma_start3A_50 = tpu.memref_slice %arg2[%dma_start3A_47, %mul3A_2] : memref<8x1024xi32, #tpu.memory_space<hbm>> -> memref<1x32xi32, #tpu.memory_space<hbm>>
    %dma_start3A_51 = tpu.memref_squeeze %dma_start3A_50 : memref<1x32xi32, #tpu.memory_space<hbm>> -> memref<32xi32, #tpu.memory_space<hbm>>
    %dma_start3A_52 = arith.constant 160 : i32
    %dma_start3A_53 = tpu.memref_slice %arg6[%dma_start3A_52] : memref<256xi32, #tpu.memory_space<vmem>> -> memref<32xi32, #tpu.memory_space<vmem>>
    %dma_start3A_54 = tpu.memref_slice %arg2[%dma_start3A_47, %mul3A_2] : memref<8x1024xi32, #tpu.memory_space<hbm>> -> memref<1x32xi32, #tpu.memory_space<hbm>>
    %dma_start3A_55 = tpu.memref_squeeze %dma_start3A_54 : memref<1x32xi32, #tpu.memory_space<hbm>> -> memref<32xi32, #tpu.memory_space<hbm>>
    tpu.enqueue_dma source(%dma_start3A_55 : memref<32xi32, #tpu.memory_space<hbm>>) target(%dma_start3A_53 : memref<32xi32, #tpu.memory_space<vmem>>) target_semaphore(%arg11 : memref<!tpu.dma_semaphore, #tpu.memory_space<semaphore_mem>>)
    %dma_start3A_56 = arith.constant 6 : i32
    %dma_start3A_57 = arith.constant 192 : i32
    %dma_start3A_58 = tpu.memref_slice %arg6[%dma_start3A_57] : memref<256xi32, #tpu.memory_space<vmem>> -> memref<32xi32, #tpu.memory_space<vmem>>
    %dma_start3A_59 = tpu.memref_slice %arg2[%dma_start3A_56, %mul3A_2] : memref<8x1024xi32, #tpu.memory_space<hbm>> -> memref<1x32xi32, #tpu.memory_space<hbm>>
    %dma_start3A_60 = tpu.memref_squeeze %dma_start3A_59 : memref<1x32xi32, #tpu.memory_space<hbm>> -> memref<32xi32, #tpu.memory_space<hbm>>
    %dma_start3A_61 = arith.constant 192 : i32
    %dma_start3A_62 = tpu.memref_slice %arg6[%dma_start3A_61] : memref<256xi32, #tpu.memory_space<vmem>> -> memref<32xi32, #tpu.memory_space<vmem>>
    %dma_start3A_63 = tpu.memref_slice %arg2[%dma_start3A_56, %mul3A_2] : memref<8x1024xi32, #tpu.memory_space<hbm>> -> memref<1x32xi32, #tpu.memory_space<hbm>>
    %dma_start3A_64 = tpu.memref_squeeze %dma_start3A_63 : memref<1x32xi32, #tpu.memory_space<hbm>> -> memref<32xi32, #tpu.memory_space<hbm>>
    tpu.enqueue_dma source(%dma_start3A_64 : memref<32xi32, #tpu.memory_space<hbm>>) target(%dma_start3A_62 : memref<32xi32, #tpu.memory_space<vmem>>) target_semaphore(%arg11 : memref<!tpu.dma_semaphore, #tpu.memory_space<semaphore_mem>>)
    %dma_start3A_65 = arith.constant 7 : i32
    %dma_start3A_66 = arith.constant 224 : i32
    %dma_start3A_67 = tpu.memref_slice %arg6[%dma_start3A_66] : memref<256xi32, #tpu.memory_space<vmem>> -> memref<32xi32, #tpu.memory_space<vmem>>
    %dma_start3A_68 = tpu.memref_slice %arg2[%dma_start3A_65, %mul3A_2] : memref<8x1024xi32, #tpu.memory_space<hbm>> -> memref<1x32xi32, #tpu.memory_space<hbm>>
    %dma_start3A_69 = tpu.memref_squeeze %dma_start3A_68 : memref<1x32xi32, #tpu.memory_space<hbm>> -> memref<32xi32, #tpu.memory_space<hbm>>
    %dma_start3A_70 = arith.constant 224 : i32
    %dma_start3A_71 = tpu.memref_slice %arg6[%dma_start3A_70] : memref<256xi32, #tpu.memory_space<vmem>> -> memref<32xi32, #tpu.memory_space<vmem>>
    %dma_start3A_72 = tpu.memref_slice %arg2[%dma_start3A_65, %mul3A_2] : memref<8x1024xi32, #tpu.memory_space<hbm>> -> memref<1x32xi32, #tpu.memory_space<hbm>>
    %dma_start3A_73 = tpu.memref_squeeze %dma_start3A_72 : memref<1x32xi32, #tpu.memory_space<hbm>> -> memref<32xi32, #tpu.memory_space<hbm>>
    tpu.enqueue_dma source(%dma_start3A_73 : memref<32xi32, #tpu.memory_space<hbm>>) target(%dma_start3A_71 : memref<32xi32, #tpu.memory_space<vmem>>) target_semaphore(%arg11 : memref<!tpu.dma_semaphore, #tpu.memory_space<semaphore_mem>>)
    %mul3A_74 = arith.constant 32 : i32
    %mul3A_75 = arith.muli %add3A, %mul3A_74 : i32
    %mul3A_76 = arith.constant 128 : i32
    %mul3A_77 = arith.muli %mul3A_75, %mul3A_76 : i32
    %dma_start3A_78 = tpu.memref_slice %arg3[%mul3A_77] : memref<131072xi32, #tpu.memory_space<hbm>> -> memref<4096xi32, #tpu.memory_space<hbm>>
    %dma_start3A_79 = tpu.memref_slice %arg3[%mul3A_77] : memref<131072xi32, #tpu.memory_space<hbm>> -> memref<4096xi32, #tpu.memory_space<hbm>>
    tpu.enqueue_dma source(%dma_start3A_79 : memref<4096xi32, #tpu.memory_space<hbm>>) target(%arg7 : memref<4096xi32, #tpu.memory_space<vmem>>) target_semaphore(%arg12 : memref<!tpu.dma_semaphore, #tpu.memory_space<semaphore_mem>>)
    tpu.enqueue_dma source(%arg4 : memref<16xf32, #tpu.memory_space<hbm>>) target(%arg8 : memref<16xf32, #tpu.memory_space<vmem>>) target_semaphore(%arg13 : memref<!tpu.dma_semaphore, #tpu.memory_space<semaphore_mem>>)
    %broadcast_in_dim3A = arith.constant 0.000000e+00 : f32
    %broadcast_in_dim3A_80 = vector.broadcast %broadcast_in_dim3A : f32 to vector<16xf32>
    %swap3A = arith.constant 0 : index
    %swap3A_81 = tpu.vector_load %arg9[%swap3A] {strides = array<i32>} : memref<2048xf32, #tpu.memory_space<vmem>>, vector<16xf32>,
    tpu.vector_store %arg9[%swap3A], %broadcast_in_dim3A_80 {strides = array<i32>} : memref<2048xf32, #tpu.memory_space<vmem>>, vector<16xf32>,
    %swap3A_82 = arith.constant 16 : index
    %swap3A_83 = tpu.vector_load %arg9[%swap3A_82] {strides = array<i32>} : memref<2048xf32, #tpu.memory_space<vmem>>, vector<16xf32>,
    tpu.vector_store %arg9[%swap3A_82], %broadcast_in_dim3A_80 {strides = array<i32>} : memref<2048xf32, #tpu.memory_space<vmem>>, vector<16xf32>,
    %swap3A_84 = arith.constant 32 : index
    %swap3A_85 = tpu.vector_load %arg9[%swap3A_84] {strides = array<i32>} : memref<2048xf32, #tpu.memory_space<vmem>>, vector<16xf32>,
    tpu.vector_store %arg9[%swap3A_84], %broadcast_in_dim3A_80 {strides = array<i32>} : memref<2048xf32, #tpu.memory_space<vmem>>, vector<16xf32>,
    %swap3A_86 = arith.constant 48 : index
    %swap3A_87 = tpu.vector_load %arg9[%swap3A_86] {strides = array<i32>} : memref<2048xf32, #tpu.memory_space<vmem>>, vector<16xf32>,
    tpu.vector_store %arg9[%swap3A_86], %broadcast_in_dim3A_80 {strides = array<i32>} : memref<2048xf32, #tpu.memory_space<vmem>>, vector<16xf32>,
    %swap3A_88 = arith.constant 64 : index
    %swap3A_89 = tpu.vector_load %arg9[%swap3A_88] {strides = array<i32>} : memref<2048xf32, #tpu.memory_space<vmem>>, vector<16xf32>,
    tpu.vector_store %arg9[%swap3A_88], %broadcast_in_dim3A_80 {strides = array<i32>} : memref<2048xf32, #tpu.memory_space<vmem>>, vector<16xf32>,
    %swap3A_90 = arith.constant 80 : index
    %swap3A_91 = tpu.vector_load %arg9[%swap3A_90] {strides = array<i32>} : memref<2048xf32, #tpu.memory_space<vmem>>, vector<16xf32>,
    tpu.vector_store %arg9[%swap3A_90], %broadcast_in_dim3A_80 {strides = array<i32>} : memref<2048xf32, #tpu.memory_space<vmem>>, vector<16xf32>,
    %swap3A_92 = arith.constant 96 : index
    %swap3A_93 = tpu.vector_load %arg9[%swap3A_92] {strides = array<i32>} : memref<2048xf32, #tpu.memory_space<vmem>>, vector<16xf32>,
    tpu.vector_store %arg9[%swap3A_92], %broadcast_in_dim3A_80 {strides = array<i32>} : memref<2048xf32, #tpu.memory_space<vmem>>, vector<16xf32>,
    %swap3A_94 = arith.constant 112 : index
    %swap3A_95 = tpu.vector_load %arg9[%swap3A_94] {strides = array<i32>} : memref<2048xf32, #tpu.memory_space<vmem>>, vector<16xf32>,
    tpu.vector_store %arg9[%swap3A_94], %broadcast_in_dim3A_80 {strides = array<i32>} : memref<2048xf32, #tpu.memory_space<vmem>>, vector<16xf32>,
    %swap3A_96 = arith.constant 128 : index
    %swap3A_97 = tpu.vector_load %arg9[%swap3A_96] {strides = array<i32>} : memref<2048xf32, #tpu.memory_space<vmem>>, vector<16xf32>,
    tpu.vector_store %arg9[%swap3A_96], %broadcast_in_dim3A_80 {strides = array<i32>} : memref<2048xf32, #tpu.memory_space<vmem>>, vector<16xf32>,
    %swap3A_98 = arith.constant 144 : index
    %swap3A_99 = tpu.vector_load %arg9[%swap3A_98] {strides = array<i32>} : memref<2048xf32, #tpu.memory_space<vmem>>, vector<16xf32>,
    tpu.vector_store %arg9[%swap3A_98], %broadcast_in_dim3A_80 {strides = array<i32>} : memref<2048xf32, #tpu.memory_space<vmem>>, vector<16xf32>,
    %swap3A_100 = arith.constant 160 : index
    %swap3A_101 = tpu.vector_load %arg9[%swap3A_100] {strides = array<i32>} : memref<2048xf32, #tpu.memory_space<vmem>>, vector<16xf32>,
    tpu.vector_store %arg9[%swap3A_100], %broadcast_in_dim3A_80 {strides = array<i32>} : memref<2048xf32, #tpu.memory_space<vmem>>, vector<16xf32>,
    %swap3A_102 = arith.constant 176 : index
    %swap3A_103 = tpu.vector_load %arg9[%swap3A_102] {strides = array<i32>} : memref<2048xf32, #tpu.memory_space<vmem>>, vector<16xf32>,
    tpu.vector_store %arg9[%swap3A_102], %broadcast_in_dim3A_80 {strides = array<i32>} : memref<2048xf32, #tpu.memory_space<vmem>>, vector<16xf32>,
    %swap3A_104 = arith.constant 192 : index
    %swap3A_105 = tpu.vector_load %arg9[%swap3A_104] {strides = array<i32>} : memref<2048xf32, #tpu.memory_space<vmem>>, vector<16xf32>,
    tpu.vector_store %arg9[%swap3A_104], %broadcast_in_dim3A_80 {strides = array<i32>} : memref<2048xf32, #tpu.memory_space<vmem>>, vector<16xf32>,
    %swap3A_106 = arith.constant 208 : index
    %swap3A_107 = tpu.vector_load %arg9[%swap3A_106] {strides = array<i32>} : memref<2048xf32, #tpu.memory_space<vmem>>, vector<16xf32>,
    tpu.vector_store %arg9[%swap3A_106], %broadcast_in_dim3A_80 {strides = array<i32>} : memref<2048xf32, #tpu.memory_space<vmem>>, vector<16xf32>,
    %swap3A_108 = arith.constant 224 : index
    %swap3A_109 = tpu.vector_load %arg9[%swap3A_108] {strides = array<i32>} : memref<2048xf32, #tpu.memory_space<vmem>>, vector<16xf32>,
    tpu.vector_store %arg9[%swap3A_108], %broadcast_in_dim3A_80 {strides = array<i32>} : memref<2048xf32, #tpu.memory_space<vmem>>, vector<16xf32>,
    %swap3A_110 = arith.constant 240 : index
    %swap3A_111 = tpu.vector_load %arg9[%swap3A_110] {strides = array<i32>} : memref<2048xf32, #tpu.memory_space<vmem>>, vector<16xf32>,
    tpu.vector_store %arg9[%swap3A_110], %broadcast_in_dim3A_80 {strides = array<i32>} : memref<2048xf32, #tpu.memory_space<vmem>>, vector<16xf32>,
    %swap3A_112 = arith.constant 256 : index
    %swap3A_113 = tpu.vector_load %arg9[%swap3A_112] {strides = array<i32>} : memref<2048xf32, #tpu.memory_space<vmem>>, vector<16xf32>,
    tpu.vector_store %arg9[%swap3A_112], %broadcast_in_dim3A_80 {strides = array<i32>} : memref<2048xf32, #tpu.memory_space<vmem>>, vector<16xf32>,
    %swap3A_114 = arith.constant 272 : index
    %swap3A_115 = tpu.vector_load %arg9[%swap3A_114] {strides = array<i32>} : memref<2048xf32, #tpu.memory_space<vmem>>, vector<16xf32>,
    tpu.vector_store %arg9[%swap3A_114], %broadcast_in_dim3A_80 {strides = array<i32>} : memref<2048xf32, #tpu.memory_space<vmem>>, vector<16xf32>,
    %swap3A_116 = arith.constant 288 : index
    %swap3A_117 = tpu.vector_load %arg9[%swap3A_116] {strides = array<i32>} : memref<2048xf32, #tpu.memory_space<vmem>>, vector<16xf32>,
    tpu.vector_store %arg9[%swap3A_116], %broadcast_in_dim3A_80 {strides = array<i32>} : memref<2048xf32, #tpu.memory_space<vmem>>, vector<16xf32>,
    %swap3A_118 = arith.constant 304 : index
    %swap3A_119 = tpu.vector_load %arg9[%swap3A_118] {strides = array<i32>} : memref<2048xf32, #tpu.memory_space<vmem>>, vector<16xf32>,
    tpu.vector_store %arg9[%swap3A_118], %broadcast_in_dim3A_80 {strides = array<i32>} : memref<2048xf32, #tpu.memory_space<vmem>>, vector<16xf32>,
    %swap3A_120 = arith.constant 320 : index
    %swap3A_121 = tpu.vector_load %arg9[%swap3A_120] {strides = array<i32>} : memref<2048xf32, #tpu.memory_space<vmem>>, vector<16xf32>,
    tpu.vector_store %arg9[%swap3A_120], %broadcast_in_dim3A_80 {strides = array<i32>} : memref<2048xf32, #tpu.memory_space<vmem>>, vector<16xf32>,
    %swap3A_122 = arith.constant 336 : index
    %swap3A_123 = tpu.vector_load %arg9[%swap3A_122] {strides = array<i32>} : memref<2048xf32, #tpu.memory_space<vmem>>, vector<16xf32>,
    tpu.vector_store %arg9[%swap3A_122], %broadcast_in_dim3A_80 {strides = array<i32>} : memref<2048xf32, #tpu.memory_space<vmem>>, vector<16xf32>,
    %swap3A_124 = arith.constant 352 : index
    %swap3A_125 = tpu.vector_load %arg9[%swap3A_124] {strides = array<i32>} : memref<2048xf32, #tpu.memory_space<vmem>>, vector<16xf32>,
    tpu.vector_store %arg9[%swap3A_124], %broadcast_in_dim3A_80 {strides = array<i32>} : memref<2048xf32, #tpu.memory_space<vmem>>, vector<16xf32>,
    %swap3A_126 = arith.constant 368 : index
    %swap3A_127 = tpu.vector_load %arg9[%swap3A_126] {strides = array<i32>} : memref<2048xf32, #tpu.memory_space<vmem>>, vector<16xf32>,
    tpu.vector_store %arg9[%swap3A_126], %broadcast_in_dim3A_80 {strides = array<i32>} : memref<2048xf32, #tpu.memory_space<vmem>>, vector<16xf32>,
    %swap3A_128 = arith.constant 384 : index
    %swap3A_129 = tpu.vector_load %arg9[%swap3A_128] {strides = array<i32>} : memref<2048xf32, #tpu.memory_space<vmem>>, vector<16xf32>,
    tpu.vector_store %arg9[%swap3A_128], %broadcast_in_dim3A_80 {strides = array<i32>} : memref<2048xf32, #tpu.memory_space<vmem>>, vector<16xf32>,
    %swap3A_130 = arith.constant 400 : index
    %swap3A_131 = tpu.vector_load %arg9[%swap3A_130] {strides = array<i32>} : memref<2048xf32, #tpu.memory_space<vmem>>, vector<16xf32>,
    tpu.vector_store %arg9[%swap3A_130], %broadcast_in_dim3A_80 {strides = array<i32>} : memref<2048xf32, #tpu.memory_space<vmem>>, vector<16xf32>,
    %swap3A_132 = arith.constant 416 : index
    %swap3A_133 = tpu.vector_load %arg9[%swap3A_132] {strides = array<i32>} : memref<2048xf32, #tpu.memory_space<vmem>>, vector<16xf32>,
    tpu.vector_store %arg9[%swap3A_132], %broadcast_in_dim3A_80 {strides = array<i32>} : memref<2048xf32, #tpu.memory_space<vmem>>, vector<16xf32>,
    %swap3A_134 = arith.constant 432 : index
    %swap3A_135 = tpu.vector_load %arg9[%swap3A_134] {strides = array<i32>} : memref<2048xf32, #tpu.memory_space<vmem>>, vector<16xf32>,
    tpu.vector_store %arg9[%swap3A_134], %broadcast_in_dim3A_80 {strides = array<i32>} : memref<2048xf32, #tpu.memory_space<vmem>>, vector<16xf32>,
    %swap3A_136 = arith.constant 448 : index
    %swap3A_137 = tpu.vector_load %arg9[%swap3A_136] {strides = array<i32>} : memref<2048xf32, #tpu.memory_space<vmem>>, vector<16xf32>,
    tpu.vector_store %arg9[%swap3A_136], %broadcast_in_dim3A_80 {strides = array<i32>} : memref<2048xf32, #tpu.memory_space<vmem>>, vector<16xf32>,
    %swap3A_138 = arith.constant 464 : index
    %swap3A_139 = tpu.vector_load %arg9[%swap3A_138] {strides = array<i32>} : memref<2048xf32, #tpu.memory_space<vmem>>, vector<16xf32>,
    tpu.vector_store %arg9[%swap3A_138], %broadcast_in_dim3A_80 {strides = array<i32>} : memref<2048xf32, #tpu.memory_space<vmem>>, vector<16xf32>,
    %swap3A_140 = arith.constant 480 : index
    %swap3A_141 = tpu.vector_load %arg9[%swap3A_140] {strides = array<i32>} : memref<2048xf32, #tpu.memory_space<vmem>>, vector<16xf32>,
    tpu.vector_store %arg9[%swap3A_140], %broadcast_in_dim3A_80 {strides = array<i32>} : memref<2048xf32, #tpu.memory_space<vmem>>, vector<16xf32>,
    %swap3A_142 = arith.constant 496 : index
    %swap3A_143 = tpu.vector_load %arg9[%swap3A_142] {strides = array<i32>} : memref<2048xf32, #tpu.memory_space<vmem>>, vector<16xf32>,
    tpu.vector_store %arg9[%swap3A_142], %broadcast_in_dim3A_80 {strides = array<i32>} : memref<2048xf32, #tpu.memory_space<vmem>>, vector<16xf32>,
    %swap3A_144 = arith.constant 512 : index
    %swap3A_145 = tpu.vector_load %arg9[%swap3A_144] {strides = array<i32>} : memref<2048xf32, #tpu.memory_space<vmem>>, vector<16xf32>,
    tpu.vector_store %arg9[%swap3A_144], %broadcast_in_dim3A_80 {strides = array<i32>} : memref<2048xf32, #tpu.memory_space<vmem>>, vector<16xf32>,
    %swap3A_146 = arith.constant 528 : index
    %swap3A_147 = tpu.vector_load %arg9[%swap3A_146] {strides = array<i32>} : memref<2048xf32, #tpu.memory_space<vmem>>, vector<16xf32>,
    tpu.vector_store %arg9[%swap3A_146], %broadcast_in_dim3A_80 {strides = array<i32>} : memref<2048xf32, #tpu.memory_space<vmem>>, vector<16xf32>,
    %swap3A_148 = arith.constant 544 : index
    %swap3A_149 = tpu.vector_load %arg9[%swap3A_148] {strides = array<i32>} : memref<2048xf32, #tpu.memory_space<vmem>>, vector<16xf32>,
    tpu.vector_store %arg9[%swap3A_148], %broadcast_in_dim3A_80 {strides = array<i32>} : memref<2048xf32, #tpu.memory_space<vmem>>, vector<16xf32>,
    %swap3A_150 = arith.constant 560 : index
    %swap3A_151 = tpu.vector_load %arg9[%swap3A_150] {strides = array<i32>} : memref<2048xf32, #tpu.memory_space<vmem>>, vector<16xf32>,
    tpu.vector_store %arg9[%swap3A_150], %broadcast_in_dim3A_80 {strides = array<i32>} : memref<2048xf32, #tpu.memory_space<vmem>>, vector<16xf32>,
    %swap3A_152 = arith.constant 576 : index
    %swap3A_153 = tpu.vector_load %arg9[%swap3A_152] {strides = array<i32>} : memref<2048xf32, #tpu.memory_space<vmem>>, vector<16xf32>,
    tpu.vector_store %arg9[%swap3A_152], %broadcast_in_dim3A_80 {strides = array<i32>} : memref<2048xf32, #tpu.memory_space<vmem>>, vector<16xf32>,
    %swap3A_154 = arith.constant 592 : index
    %swap3A_155 = tpu.vector_load %arg9[%swap3A_154] {strides = array<i32>} : memref<2048xf32, #tpu.memory_space<vmem>>, vector<16xf32>,
    tpu.vector_store %arg9[%swap3A_154], %broadcast_in_dim3A_80 {strides = array<i32>} : memref<2048xf32, #tpu.memory_space<vmem>>, vector<16xf32>,
    %swap3A_156 = arith.constant 608 : index
    %swap3A_157 = tpu.vector_load %arg9[%swap3A_156] {strides = array<i32>} : memref<2048xf32, #tpu.memory_space<vmem>>, vector<16xf32>,
    tpu.vector_store %arg9[%swap3A_156], %broadcast_in_dim3A_80 {strides = array<i32>} : memref<2048xf32, #tpu.memory_space<vmem>>, vector<16xf32>,
    %swap3A_158 = arith.constant 624 : index
    %swap3A_159 = tpu.vector_load %arg9[%swap3A_158] {strides = array<i32>} : memref<2048xf32, #tpu.memory_space<vmem>>, vector<16xf32>,
    tpu.vector_store %arg9[%swap3A_158], %broadcast_in_dim3A_80 {strides = array<i32>} : memref<2048xf32, #tpu.memory_space<vmem>>, vector<16xf32>,
    %swap3A_160 = arith.constant 640 : index
    %swap3A_161 = tpu.vector_load %arg9[%swap3A_160] {strides = array<i32>} : memref<2048xf32, #tpu.memory_space<vmem>>, vector<16xf32>,
    tpu.vector_store %arg9[%swap3A_160], %broadcast_in_dim3A_80 {strides = array<i32>} : memref<2048xf32, #tpu.memory_space<vmem>>, vector<16xf32>,
    %swap3A_162 = arith.constant 656 : index
    %swap3A_163 = tpu.vector_load %arg9[%swap3A_162] {strides = array<i32>} : memref<2048xf32, #tpu.memory_space<vmem>>, vector<16xf32>,
    tpu.vector_store %arg9[%swap3A_162], %broadcast_in_dim3A_80 {strides = array<i32>} : memref<2048xf32, #tpu.memory_space<vmem>>, vector<16xf32>,
    %swap3A_164 = arith.constant 672 : index
    %swap3A_165 = tpu.vector_load %arg9[%swap3A_164] {strides = array<i32>} : memref<2048xf32, #tpu.memory_space<vmem>>, vector<16xf32>,
    tpu.vector_store %arg9[%swap3A_164], %broadcast_in_dim3A_80 {strides = array<i32>} : memref<2048xf32, #tpu.memory_space<vmem>>, vector<16xf32>,
    %swap3A_166 = arith.constant 688 : index
    %swap3A_167 = tpu.vector_load %arg9[%swap3A_166] {strides = array<i32>} : memref<2048xf32, #tpu.memory_space<vmem>>, vector<16xf32>,
    tpu.vector_store %arg9[%swap3A_166], %broadcast_in_dim3A_80 {strides = array<i32>} : memref<2048xf32, #tpu.memory_space<vmem>>, vector<16xf32>,
    %swap3A_168 = arith.constant 704 : index
    %swap3A_169 = tpu.vector_load %arg9[%swap3A_168] {strides = array<i32>} : memref<2048xf32, #tpu.memory_space<vmem>>, vector<16xf32>,
    tpu.vector_store %arg9[%swap3A_168], %broadcast_in_dim3A_80 {strides = array<i32>} : memref<2048xf32, #tpu.memory_space<vmem>>, vector<16xf32>,
    %swap3A_170 = arith.constant 720 : index
    %swap3A_171 = tpu.vector_load %arg9[%swap3A_170] {strides = array<i32>} : memref<2048xf32, #tpu.memory_space<vmem>>, vector<16xf32>,
    tpu.vector_store %arg9[%swap3A_170], %broadcast_in_dim3A_80 {strides = array<i32>} : memref<2048xf32, #tpu.memory_space<vmem>>, vector<16xf32>,
    %swap3A_172 = arith.constant 736 : index
    %swap3A_173 = tpu.vector_load %arg9[%swap3A_172] {strides = array<i32>} : memref<2048xf32, #tpu.memory_space<vmem>>, vector<16xf32>,
    tpu.vector_store %arg9[%swap3A_172], %broadcast_in_dim3A_80 {strides = array<i32>} : memref<2048xf32, #tpu.memory_space<vmem>>, vector<16xf32>,
    %swap3A_174 = arith.constant 752 : index
    %swap3A_175 = tpu.vector_load %arg9[%swap3A_174] {strides = array<i32>} : memref<2048xf32, #tpu.memory_space<vmem>>, vector<16xf32>,
    tpu.vector_store %arg9[%swap3A_174], %broadcast_in_dim3A_80 {strides = array<i32>} : memref<2048xf32, #tpu.memory_space<vmem>>, vector<16xf32>,
    %swap3A_176 = arith.constant 768 : index
    %swap3A_177 = tpu.vector_load %arg9[%swap3A_176] {strides = array<i32>} : memref<2048xf32, #tpu.memory_space<vmem>>, vector<16xf32>,
    tpu.vector_store %arg9[%swap3A_176], %broadcast_in_dim3A_80 {strides = array<i32>} : memref<2048xf32, #tpu.memory_space<vmem>>, vector<16xf32>,
    %swap3A_178 = arith.constant 784 : index
    %swap3A_179 = tpu.vector_load %arg9[%swap3A_178] {strides = array<i32>} : memref<2048xf32, #tpu.memory_space<vmem>>, vector<16xf32>,
    tpu.vector_store %arg9[%swap3A_178], %broadcast_in_dim3A_80 {strides = array<i32>} : memref<2048xf32, #tpu.memory_space<vmem>>, vector<16xf32>,
    %swap3A_180 = arith.constant 800 : index
    %swap3A_181 = tpu.vector_load %arg9[%swap3A_180] {strides = array<i32>} : memref<2048xf32, #tpu.memory_space<vmem>>, vector<16xf32>,
    tpu.vector_store %arg9[%swap3A_180], %broadcast_in_dim3A_80 {strides = array<i32>} : memref<2048xf32, #tpu.memory_space<vmem>>, vector<16xf32>,
    %swap3A_182 = arith.constant 816 : index
    %swap3A_183 = tpu.vector_load %arg9[%swap3A_182] {strides = array<i32>} : memref<2048xf32, #tpu.memory_space<vmem>>, vector<16xf32>,
    tpu.vector_store %arg9[%swap3A_182], %broadcast_in_dim3A_80 {strides = array<i32>} : memref<2048xf32, #tpu.memory_space<vmem>>, vector<16xf32>,
    %swap3A_184 = arith.constant 832 : index
    %swap3A_185 = tpu.vector_load %arg9[%swap3A_184] {strides = array<i32>} : memref<2048xf32, #tpu.memory_space<vmem>>, vector<16xf32>,
    tpu.vector_store %arg9[%swap3A_184], %broadcast_in_dim3A_80 {strides = array<i32>} : memref<2048xf32, #tpu.memory_space<vmem>>, vector<16xf32>,
    %swap3A_186 = arith.constant 848 : index
    %swap3A_187 = tpu.vector_load %arg9[%swap3A_186] {strides = array<i32>} : memref<2048xf32, #tpu.memory_space<vmem>>, vector<16xf32>,
    tpu.vector_store %arg9[%swap3A_186], %broadcast_in_dim3A_80 {strides = array<i32>} : memref<2048xf32, #tpu.memory_space<vmem>>, vector<16xf32>,
    %swap3A_188 = arith.constant 864 : index
    %swap3A_189 = tpu.vector_load %arg9[%swap3A_188] {strides = array<i32>} : memref<2048xf32, #tpu.memory_space<vmem>>, vector<16xf32>,
    tpu.vector_store %arg9[%swap3A_188], %broadcast_in_dim3A_80 {strides = array<i32>} : memref<2048xf32, #tpu.memory_space<vmem>>, vector<16xf32>,
    %swap3A_190 = arith.constant 880 : index
    %swap3A_191 = tpu.vector_load %arg9[%swap3A_190] {strides = array<i32>} : memref<2048xf32, #tpu.memory_space<vmem>>, vector<16xf32>,
    tpu.vector_store %arg9[%swap3A_190], %broadcast_in_dim3A_80 {strides = array<i32>} : memref<2048xf32, #tpu.memory_space<vmem>>, vector<16xf32>,
    %swap3A_192 = arith.constant 896 : index
    %swap3A_193 = tpu.vector_load %arg9[%swap3A_192] {strides = array<i32>} : memref<2048xf32, #tpu.memory_space<vmem>>, vector<16xf32>,
    tpu.vector_store %arg9[%swap3A_192], %broadcast_in_dim3A_80 {strides = array<i32>} : memref<2048xf32, #tpu.memory_space<vmem>>, vector<16xf32>,
    %swap3A_194 = arith.constant 912 : index
    %swap3A_195 = tpu.vector_load %arg9[%swap3A_194] {strides = array<i32>} : memref<2048xf32, #tpu.memory_space<vmem>>, vector<16xf32>,
    tpu.vector_store %arg9[%swap3A_194], %broadcast_in_dim3A_80 {strides = array<i32>} : memref<2048xf32, #tpu.memory_space<vmem>>, vector<16xf32>,
    %swap3A_196 = arith.constant 928 : index
    %swap3A_197 = tpu.vector_load %arg9[%swap3A_196] {strides = array<i32>} : memref<2048xf32, #tpu.memory_space<vmem>>, vector<16xf32>,
    tpu.vector_store %arg9[%swap3A_196], %broadcast_in_dim3A_80 {strides = array<i32>} : memref<2048xf32, #tpu.memory_space<vmem>>, vector<16xf32>,
    %swap3A_198 = arith.constant 944 : index
    %swap3A_199 = tpu.vector_load %arg9[%swap3A_198] {strides = array<i32>} : memref<2048xf32, #tpu.memory_space<vmem>>, vector<16xf32>,
    tpu.vector_store %arg9[%swap3A_198], %broadcast_in_dim3A_80 {strides = array<i32>} : memref<2048xf32, #tpu.memory_space<vmem>>, vector<16xf32>,
    %swap3A_200 = arith.constant 960 : index
    %swap3A_201 = tpu.vector_load %arg9[%swap3A_200] {strides = array<i32>} : memref<2048xf32, #tpu.memory_space<vmem>>, vector<16xf32>,
    tpu.vector_store %arg9[%swap3A_200], %broadcast_in_dim3A_80 {strides = array<i32>} : memref<2048xf32, #tpu.memory_space<vmem>>, vector<16xf32>,
    %swap3A_202 = arith.constant 976 : index
    %swap3A_203 = tpu.vector_load %arg9[%swap3A_202] {strides = array<i32>} : memref<2048xf32, #tpu.memory_space<vmem>>, vector<16xf32>,
    tpu.vector_store %arg9[%swap3A_202], %broadcast_in_dim3A_80 {strides = array<i32>} : memref<2048xf32, #tpu.memory_space<vmem>>, vector<16xf32>,
    %swap3A_204 = arith.constant 992 : index
    %swap3A_205 = tpu.vector_load %arg9[%swap3A_204] {strides = array<i32>} : memref<2048xf32, #tpu.memory_space<vmem>>, vector<16xf32>,
    tpu.vector_store %arg9[%swap3A_204], %broadcast_in_dim3A_80 {strides = array<i32>} : memref<2048xf32, #tpu.memory_space<vmem>>, vector<16xf32>,
    %swap3A_206 = arith.constant 1008 : index
    %swap3A_207 = tpu.vector_load %arg9[%swap3A_206] {strides = array<i32>} : memref<2048xf32, #tpu.memory_space<vmem>>, vector<16xf32>,
    tpu.vector_store %arg9[%swap3A_206], %broadcast_in_dim3A_80 {strides = array<i32>} : memref<2048xf32, #tpu.memory_space<vmem>>, vector<16xf32>,
    %swap3A_208 = arith.constant 1024 : index
    %swap3A_209 = tpu.vector_load %arg9[%swap3A_208] {strides = array<i32>} : memref<2048xf32, #tpu.memory_space<vmem>>, vector<16xf32>,
    tpu.vector_store %arg9[%swap3A_208], %broadcast_in_dim3A_80 {strides = array<i32>} : memref<2048xf32, #tpu.memory_space<vmem>>, vector<16xf32>,
    %swap3A_210 = arith.constant 1040 : index
    %swap3A_211 = tpu.vector_load %arg9[%swap3A_210] {strides = array<i32>} : memref<2048xf32, #tpu.memory_space<vmem>>, vector<16xf32>,
    tpu.vector_store %arg9[%swap3A_210], %broadcast_in_dim3A_80 {strides = array<i32>} : memref<2048xf32, #tpu.memory_space<vmem>>, vector<16xf32>,
    %swap3A_212 = arith.constant 1056 : index
    %swap3A_213 = tpu.vector_load %arg9[%swap3A_212] {strides = array<i32>} : memref<2048xf32, #tpu.memory_space<vmem>>, vector<16xf32>,
    tpu.vector_store %arg9[%swap3A_212], %broadcast_in_dim3A_80 {strides = array<i32>} : memref<2048xf32, #tpu.memory_space<vmem>>, vector<16xf32>,
    %swap3A_214 = arith.constant 1072 : index
    %swap3A_215 = tpu.vector_load %arg9[%swap3A_214] {strides = array<i32>} : memref<2048xf32, #tpu.memory_space<vmem>>, vector<16xf32>,
    tpu.vector_store %arg9[%swap3A_214], %broadcast_in_dim3A_80 {strides = array<i32>} : memref<2048xf32, #tpu.memory_space<vmem>>, vector<16xf32>,
    %swap3A_216 = arith.constant 1088 : index
    %swap3A_217 = tpu.vector_load %arg9[%swap3A_216] {strides = array<i32>} : memref<2048xf32, #tpu.memory_space<vmem>>, vector<16xf32>,
    tpu.vector_store %arg9[%swap3A_216], %broadcast_in_dim3A_80 {strides = array<i32>} : memref<2048xf32, #tpu.memory_space<vmem>>, vector<16xf32>,
    %swap3A_218 = arith.constant 1104 : index
    %swap3A_219 = tpu.vector_load %arg9[%swap3A_218] {strides = array<i32>} : memref<2048xf32, #tpu.memory_space<vmem>>, vector<16xf32>,
    tpu.vector_store %arg9[%swap3A_218], %broadcast_in_dim3A_80 {strides = array<i32>} : memref<2048xf32, #tpu.memory_space<vmem>>, vector<16xf32>,
    %swap3A_220 = arith.constant 1120 : index
    %swap3A_221 = tpu.vector_load %arg9[%swap3A_220] {strides = array<i32>} : memref<2048xf32, #tpu.memory_space<vmem>>, vector<16xf32>,
    tpu.vector_store %arg9[%swap3A_220], %broadcast_in_dim3A_80 {strides = array<i32>} : memref<2048xf32, #tpu.memory_space<vmem>>, vector<16xf32>,
    %swap3A_222 = arith.constant 1136 : index
    %swap3A_223 = tpu.vector_load %arg9[%swap3A_222] {strides = array<i32>} : memref<2048xf32, #tpu.memory_space<vmem>>, vector<16xf32>,
    tpu.vector_store %arg9[%swap3A_222], %broadcast_in_dim3A_80 {strides = array<i32>} : memref<2048xf32, #tpu.memory_space<vmem>>, vector<16xf32>,
    %swap3A_224 = arith.constant 1152 : index
    %swap3A_225 = tpu.vector_load %arg9[%swap3A_224] {strides = array<i32>} : memref<2048xf32, #tpu.memory_space<vmem>>, vector<16xf32>,
    tpu.vector_store %arg9[%swap3A_224], %broadcast_in_dim3A_80 {strides = array<i32>} : memref<2048xf32, #tpu.memory_space<vmem>>, vector<16xf32>,
    %swap3A_226 = arith.constant 1168 : index
    %swap3A_227 = tpu.vector_load %arg9[%swap3A_226] {strides = array<i32>} : memref<2048xf32, #tpu.memory_space<vmem>>, vector<16xf32>,
    tpu.vector_store %arg9[%swap3A_226], %broadcast_in_dim3A_80 {strides = array<i32>} : memref<2048xf32, #tpu.memory_space<vmem>>, vector<16xf32>,
    %swap3A_228 = arith.constant 1184 : index
    %swap3A_229 = tpu.vector_load %arg9[%swap3A_228] {strides = array<i32>} : memref<2048xf32, #tpu.memory_space<vmem>>, vector<16xf32>,
    tpu.vector_store %arg9[%swap3A_228], %broadcast_in_dim3A_80 {strides = array<i32>} : memref<2048xf32, #tpu.memory_space<vmem>>, vector<16xf32>,
    %swap3A_230 = arith.constant 1200 : index
    %swap3A_231 = tpu.vector_load %arg9[%swap3A_230] {strides = array<i32>} : memref<2048xf32, #tpu.memory_space<vmem>>, vector<16xf32>,
    tpu.vector_store %arg9[%swap3A_230], %broadcast_in_dim3A_80 {strides = array<i32>} : memref<2048xf32, #tpu.memory_space<vmem>>, vector<16xf32>,
    %swap3A_232 = arith.constant 1216 : index
    %swap3A_233 = tpu.vector_load %arg9[%swap3A_232] {strides = array<i32>} : memref<2048xf32, #tpu.memory_space<vmem>>, vector<16xf32>,
    tpu.vector_store %arg9[%swap3A_232], %broadcast_in_dim3A_80 {strides = array<i32>} : memref<2048xf32, #tpu.memory_space<vmem>>, vector<16xf32>,
    %swap3A_234 = arith.constant 1232 : index
    %swap3A_235 = tpu.vector_load %arg9[%swap3A_234] {strides = array<i32>} : memref<2048xf32, #tpu.memory_space<vmem>>, vector<16xf32>,
    tpu.vector_store %arg9[%swap3A_234], %broadcast_in_dim3A_80 {strides = array<i32>} : memref<2048xf32, #tpu.memory_space<vmem>>, vector<16xf32>,
    %swap3A_236 = arith.constant 1248 : index
    %swap3A_237 = tpu.vector_load %arg9[%swap3A_236] {strides = array<i32>} : memref<2048xf32, #tpu.memory_space<vmem>>, vector<16xf32>,
    tpu.vector_store %arg9[%swap3A_236], %broadcast_in_dim3A_80 {strides = array<i32>} : memref<2048xf32, #tpu.memory_space<vmem>>, vector<16xf32>,
    %swap3A_238 = arith.constant 1264 : index
    %swap3A_239 = tpu.vector_load %arg9[%swap3A_238] {strides = array<i32>} : memref<2048xf32, #tpu.memory_space<vmem>>, vector<16xf32>,
    tpu.vector_store %arg9[%swap3A_238], %broadcast_in_dim3A_80 {strides = array<i32>} : memref<2048xf32, #tpu.memory_space<vmem>>, vector<16xf32>,
    %swap3A_240 = arith.constant 1280 : index
    %swap3A_241 = tpu.vector_load %arg9[%swap3A_240] {strides = array<i32>} : memref<2048xf32, #tpu.memory_space<vmem>>, vector<16xf32>,
    tpu.vector_store %arg9[%swap3A_240], %broadcast_in_dim3A_80 {strides = array<i32>} : memref<2048xf32, #tpu.memory_space<vmem>>, vector<16xf32>,
    %swap3A_242 = arith.constant 1296 : index
    %swap3A_243 = tpu.vector_load %arg9[%swap3A_242] {strides = array<i32>} : memref<2048xf32, #tpu.memory_space<vmem>>, vector<16xf32>,
    tpu.vector_store %arg9[%swap3A_242], %broadcast_in_dim3A_80 {strides = array<i32>} : memref<2048xf32, #tpu.memory_space<vmem>>, vector<16xf32>,
    %swap3A_244 = arith.constant 1312 : index
    %swap3A_245 = tpu.vector_load %arg9[%swap3A_244] {strides = array<i32>} : memref<2048xf32, #tpu.memory_space<vmem>>, vector<16xf32>,
    tpu.vector_store %arg9[%swap3A_244], %broadcast_in_dim3A_80 {strides = array<i32>} : memref<2048xf32, #tpu.memory_space<vmem>>, vector<16xf32>,
    %swap3A_246 = arith.constant 1328 : index
    %swap3A_247 = tpu.vector_load %arg9[%swap3A_246] {strides = array<i32>} : memref<2048xf32, #tpu.memory_space<vmem>>, vector<16xf32>,
    tpu.vector_store %arg9[%swap3A_246], %broadcast_in_dim3A_80 {strides = array<i32>} : memref<2048xf32, #tpu.memory_space<vmem>>, vector<16xf32>,
    %swap3A_248 = arith.constant 1344 : index
    %swap3A_249 = tpu.vector_load %arg9[%swap3A_248] {strides = array<i32>} : memref<2048xf32, #tpu.memory_space<vmem>>, vector<16xf32>,
    tpu.vector_store %arg9[%swap3A_248], %broadcast_in_dim3A_80 {strides = array<i32>} : memref<2048xf32, #tpu.memory_space<vmem>>, vector<16xf32>,
    %swap3A_250 = arith.constant 1360 : index
    %swap3A_251 = tpu.vector_load %arg9[%swap3A_250] {strides = array<i32>} : memref<2048xf32, #tpu.memory_space<vmem>>, vector<16xf32>,
    tpu.vector_store %arg9[%swap3A_250], %broadcast_in_dim3A_80 {strides = array<i32>} : memref<2048xf32, #tpu.memory_space<vmem>>, vector<16xf32>,
    %swap3A_252 = arith.constant 1376 : index
    %swap3A_253 = tpu.vector_load %arg9[%swap3A_252] {strides = array<i32>} : memref<2048xf32, #tpu.memory_space<vmem>>, vector<16xf32>,
    tpu.vector_store %arg9[%swap3A_252], %broadcast_in_dim3A_80 {strides = array<i32>} : memref<2048xf32, #tpu.memory_space<vmem>>, vector<16xf32>,
    %swap3A_254 = arith.constant 1392 : index
    %swap3A_255 = tpu.vector_load %arg9[%swap3A_254] {strides = array<i32>} : memref<2048xf32, #tpu.memory_space<vmem>>, vector<16xf32>,
    tpu.vector_store %arg9[%swap3A_254], %broadcast_in_dim3A_80 {strides = array<i32>} : memref<2048xf32, #tpu.memory_space<vmem>>, vector<16xf32>,
    %swap3A_256 = arith.constant 1408 : index
    %swap3A_257 = tpu.vector_load %arg9[%swap3A_256] {strides = array<i32>} : memref<2048xf32, #tpu.memory_space<vmem>>, vector<16xf32>,
    tpu.vector_store %arg9[%swap3A_256], %broadcast_in_dim3A_80 {strides = array<i32>} : memref<2048xf32, #tpu.memory_space<vmem>>, vector<16xf32>,
    %swap3A_258 = arith.constant 1424 : index
    %swap3A_259 = tpu.vector_load %arg9[%swap3A_258] {strides = array<i32>} : memref<2048xf32, #tpu.memory_space<vmem>>, vector<16xf32>,
    tpu.vector_store %arg9[%swap3A_258], %broadcast_in_dim3A_80 {strides = array<i32>} : memref<2048xf32, #tpu.memory_space<vmem>>, vector<16xf32>,
    %swap3A_260 = arith.constant 1440 : index
    %swap3A_261 = tpu.vector_load %arg9[%swap3A_260] {strides = array<i32>} : memref<2048xf32, #tpu.memory_space<vmem>>, vector<16xf32>,
    tpu.vector_store %arg9[%swap3A_260], %broadcast_in_dim3A_80 {strides = array<i32>} : memref<2048xf32, #tpu.memory_space<vmem>>, vector<16xf32>,
    %swap3A_262 = arith.constant 1456 : index
    %swap3A_263 = tpu.vector_load %arg9[%swap3A_262] {strides = array<i32>} : memref<2048xf32, #tpu.memory_space<vmem>>, vector<16xf32>,
    tpu.vector_store %arg9[%swap3A_262], %broadcast_in_dim3A_80 {strides = array<i32>} : memref<2048xf32, #tpu.memory_space<vmem>>, vector<16xf32>,
    %swap3A_264 = arith.constant 1472 : index
    %swap3A_265 = tpu.vector_load %arg9[%swap3A_264] {strides = array<i32>} : memref<2048xf32, #tpu.memory_space<vmem>>, vector<16xf32>,
    tpu.vector_store %arg9[%swap3A_264], %broadcast_in_dim3A_80 {strides = array<i32>} : memref<2048xf32, #tpu.memory_space<vmem>>, vector<16xf32>,
    %swap3A_266 = arith.constant 1488 : index
    %swap3A_267 = tpu.vector_load %arg9[%swap3A_266] {strides = array<i32>} : memref<2048xf32, #tpu.memory_space<vmem>>, vector<16xf32>,
    tpu.vector_store %arg9[%swap3A_266], %broadcast_in_dim3A_80 {strides = array<i32>} : memref<2048xf32, #tpu.memory_space<vmem>>, vector<16xf32>,
    %swap3A_268 = arith.constant 1504 : index
    %swap3A_269 = tpu.vector_load %arg9[%swap3A_268] {strides = array<i32>} : memref<2048xf32, #tpu.memory_space<vmem>>, vector<16xf32>,
    tpu.vector_store %arg9[%swap3A_268], %broadcast_in_dim3A_80 {strides = array<i32>} : memref<2048xf32, #tpu.memory_space<vmem>>, vector<16xf32>,
    %swap3A_270 = arith.constant 1520 : index
    %swap3A_271 = tpu.vector_load %arg9[%swap3A_270] {strides = array<i32>} : memref<2048xf32, #tpu.memory_space<vmem>>, vector<16xf32>,
    tpu.vector_store %arg9[%swap3A_270], %broadcast_in_dim3A_80 {strides = array<i32>} : memref<2048xf32, #tpu.memory_space<vmem>>, vector<16xf32>,
    %swap3A_272 = arith.constant 1536 : index
    %swap3A_273 = tpu.vector_load %arg9[%swap3A_272] {strides = array<i32>} : memref<2048xf32, #tpu.memory_space<vmem>>, vector<16xf32>,
    tpu.vector_store %arg9[%swap3A_272], %broadcast_in_dim3A_80 {strides = array<i32>} : memref<2048xf32, #tpu.memory_space<vmem>>, vector<16xf32>,
    %swap3A_274 = arith.constant 1552 : index
    %swap3A_275 = tpu.vector_load %arg9[%swap3A_274] {strides = array<i32>} : memref<2048xf32, #tpu.memory_space<vmem>>, vector<16xf32>,
    tpu.vector_store %arg9[%swap3A_274], %broadcast_in_dim3A_80 {strides = array<i32>} : memref<2048xf32, #tpu.memory_space<vmem>>, vector<16xf32>,
    %swap3A_276 = arith.constant 1568 : index
    %swap3A_277 = tpu.vector_load %arg9[%swap3A_276] {strides = array<i32>} : memref<2048xf32, #tpu.memory_space<vmem>>, vector<16xf32>,
    tpu.vector_store %arg9[%swap3A_276], %broadcast_in_dim3A_80 {strides = array<i32>} : memref<2048xf32, #tpu.memory_space<vmem>>, vector<16xf32>,
    %swap3A_278 = arith.constant 1584 : index
    %swap3A_279 = tpu.vector_load %arg9[%swap3A_278] {strides = array<i32>} : memref<2048xf32, #tpu.memory_space<vmem>>, vector<16xf32>,
    tpu.vector_store %arg9[%swap3A_278], %broadcast_in_dim3A_80 {strides = array<i32>} : memref<2048xf32, #tpu.memory_space<vmem>>, vector<16xf32>,
    %swap3A_280 = arith.constant 1600 : index
    %swap3A_281 = tpu.vector_load %arg9[%swap3A_280] {strides = array<i32>} : memref<2048xf32, #tpu.memory_space<vmem>>, vector<16xf32>,
    tpu.vector_store %arg9[%swap3A_280], %broadcast_in_dim3A_80 {strides = array<i32>} : memref<2048xf32, #tpu.memory_space<vmem>>, vector<16xf32>,
    %swap3A_282 = arith.constant 1616 : index
    %swap3A_283 = tpu.vector_load %arg9[%swap3A_282] {strides = array<i32>} : memref<2048xf32, #tpu.memory_space<vmem>>, vector<16xf32>,
    tpu.vector_store %arg9[%swap3A_282], %broadcast_in_dim3A_80 {strides = array<i32>} : memref<2048xf32, #tpu.memory_space<vmem>>, vector<16xf32>,
    %swap3A_284 = arith.constant 1632 : index
    %swap3A_285 = tpu.vector_load %arg9[%swap3A_284] {strides = array<i32>} : memref<2048xf32, #tpu.memory_space<vmem>>, vector<16xf32>,
    tpu.vector_store %arg9[%swap3A_284], %broadcast_in_dim3A_80 {strides = array<i32>} : memref<2048xf32, #tpu.memory_space<vmem>>, vector<16xf32>,
    %swap3A_286 = arith.constant 1648 : index
    %swap3A_287 = tpu.vector_load %arg9[%swap3A_286] {strides = array<i32>} : memref<2048xf32, #tpu.memory_space<vmem>>, vector<16xf32>,
    tpu.vector_store %arg9[%swap3A_286], %broadcast_in_dim3A_80 {strides = array<i32>} : memref<2048xf32, #tpu.memory_space<vmem>>, vector<16xf32>,
    %swap3A_288 = arith.constant 1664 : index
    %swap3A_289 = tpu.vector_load %arg9[%swap3A_288] {strides = array<i32>} : memref<2048xf32, #tpu.memory_space<vmem>>, vector<16xf32>,
    tpu.vector_store %arg9[%swap3A_288], %broadcast_in_dim3A_80 {strides = array<i32>} : memref<2048xf32, #tpu.memory_space<vmem>>, vector<16xf32>,
    %swap3A_290 = arith.constant 1680 : index
    %swap3A_291 = tpu.vector_load %arg9[%swap3A_290] {strides = array<i32>} : memref<2048xf32, #tpu.memory_space<vmem>>, vector<16xf32>,
    tpu.vector_store %arg9[%swap3A_290], %broadcast_in_dim3A_80 {strides = array<i32>} : memref<2048xf32, #tpu.memory_space<vmem>>, vector<16xf32>,
    %swap3A_292 = arith.constant 1696 : index
    %swap3A_293 = tpu.vector_load %arg9[%swap3A_292] {strides = array<i32>} : memref<2048xf32, #tpu.memory_space<vmem>>, vector<16xf32>,
    tpu.vector_store %arg9[%swap3A_292], %broadcast_in_dim3A_80 {strides = array<i32>} : memref<2048xf32, #tpu.memory_space<vmem>>, vector<16xf32>,
    %swap3A_294 = arith.constant 1712 : index
    %swap3A_295 = tpu.vector_load %arg9[%swap3A_294] {strides = array<i32>} : memref<2048xf32, #tpu.memory_space<vmem>>, vector<16xf32>,
    tpu.vector_store %arg9[%swap3A_294], %broadcast_in_dim3A_80 {strides = array<i32>} : memref<2048xf32, #tpu.memory_space<vmem>>, vector<16xf32>,
    %swap3A_296 = arith.constant 1728 : index
    %swap3A_297 = tpu.vector_load %arg9[%swap3A_296] {strides = array<i32>} : memref<2048xf32, #tpu.memory_space<vmem>>, vector<16xf32>,
    tpu.vector_store %arg9[%swap3A_296], %broadcast_in_dim3A_80 {strides = array<i32>} : memref<2048xf32, #tpu.memory_space<vmem>>, vector<16xf32>,
    %swap3A_298 = arith.constant 1744 : index
    %swap3A_299 = tpu.vector_load %arg9[%swap3A_298] {strides = array<i32>} : memref<2048xf32, #tpu.memory_space<vmem>>, vector<16xf32>,
    tpu.vector_store %arg9[%swap3A_298], %broadcast_in_dim3A_80 {strides = array<i32>} : memref<2048xf32, #tpu.memory_space<vmem>>, vector<16xf32>,
    %swap3A_300 = arith.constant 1760 : index
    %swap3A_301 = tpu.vector_load %arg9[%swap3A_300] {strides = array<i32>} : memref<2048xf32, #tpu.memory_space<vmem>>, vector<16xf32>,
    tpu.vector_store %arg9[%swap3A_300], %broadcast_in_dim3A_80 {strides = array<i32>} : memref<2048xf32, #tpu.memory_space<vmem>>, vector<16xf32>,
    %swap3A_302 = arith.constant 1776 : index
    %swap3A_303 = tpu.vector_load %arg9[%swap3A_302] {strides = array<i32>} : memref<2048xf32, #tpu.memory_space<vmem>>, vector<16xf32>,
    tpu.vector_store %arg9[%swap3A_302], %broadcast_in_dim3A_80 {strides = array<i32>} : memref<2048xf32, #tpu.memory_space<vmem>>, vector<16xf32>,
    %swap3A_304 = arith.constant 1792 : index
    %swap3A_305 = tpu.vector_load %arg9[%swap3A_304] {strides = array<i32>} : memref<2048xf32, #tpu.memory_space<vmem>>, vector<16xf32>,
    tpu.vector_store %arg9[%swap3A_304], %broadcast_in_dim3A_80 {strides = array<i32>} : memref<2048xf32, #tpu.memory_space<vmem>>, vector<16xf32>,
    %swap3A_306 = arith.constant 1808 : index
    %swap3A_307 = tpu.vector_load %arg9[%swap3A_306] {strides = array<i32>} : memref<2048xf32, #tpu.memory_space<vmem>>, vector<16xf32>,
    tpu.vector_store %arg9[%swap3A_306], %broadcast_in_dim3A_80 {strides = array<i32>} : memref<2048xf32, #tpu.memory_space<vmem>>, vector<16xf32>,
    %swap3A_308 = arith.constant 1824 : index
    %swap3A_309 = tpu.vector_load %arg9[%swap3A_308] {strides = array<i32>} : memref<2048xf32, #tpu.memory_space<vmem>>, vector<16xf32>,
    tpu.vector_store %arg9[%swap3A_308], %broadcast_in_dim3A_80 {strides = array<i32>} : memref<2048xf32, #tpu.memory_space<vmem>>, vector<16xf32>,
    %swap3A_310 = arith.constant 1840 : index
    %swap3A_311 = tpu.vector_load %arg9[%swap3A_310] {strides = array<i32>} : memref<2048xf32, #tpu.memory_space<vmem>>, vector<16xf32>,
    tpu.vector_store %arg9[%swap3A_310], %broadcast_in_dim3A_80 {strides = array<i32>} : memref<2048xf32, #tpu.memory_space<vmem>>, vector<16xf32>,
    %swap3A_312 = arith.constant 1856 : index
    %swap3A_313 = tpu.vector_load %arg9[%swap3A_312] {strides = array<i32>} : memref<2048xf32, #tpu.memory_space<vmem>>, vector<16xf32>,
    tpu.vector_store %arg9[%swap3A_312], %broadcast_in_dim3A_80 {strides = array<i32>} : memref<2048xf32, #tpu.memory_space<vmem>>, vector<16xf32>,
    %swap3A_314 = arith.constant 1872 : index
    %swap3A_315 = tpu.vector_load %arg9[%swap3A_314] {strides = array<i32>} : memref<2048xf32, #tpu.memory_space<vmem>>, vector<16xf32>,
    tpu.vector_store %arg9[%swap3A_314], %broadcast_in_dim3A_80 {strides = array<i32>} : memref<2048xf32, #tpu.memory_space<vmem>>, vector<16xf32>,
    %swap3A_316 = arith.constant 1888 : index
    %swap3A_317 = tpu.vector_load %arg9[%swap3A_316] {strides = array<i32>} : memref<2048xf32, #tpu.memory_space<vmem>>, vector<16xf32>,
    tpu.vector_store %arg9[%swap3A_316], %broadcast_in_dim3A_80 {strides = array<i32>} : memref<2048xf32, #tpu.memory_space<vmem>>, vector<16xf32>,
    %swap3A_318 = arith.constant 1904 : index
    %swap3A_319 = tpu.vector_load %arg9[%swap3A_318] {strides = array<i32>} : memref<2048xf32, #tpu.memory_space<vmem>>, vector<16xf32>,
    tpu.vector_store %arg9[%swap3A_318], %broadcast_in_dim3A_80 {strides = array<i32>} : memref<2048xf32, #tpu.memory_space<vmem>>, vector<16xf32>,
    %swap3A_320 = arith.constant 1920 : index
    %swap3A_321 = tpu.vector_load %arg9[%swap3A_320] {strides = array<i32>} : memref<2048xf32, #tpu.memory_space<vmem>>, vector<16xf32>,
    tpu.vector_store %arg9[%swap3A_320], %broadcast_in_dim3A_80 {strides = array<i32>} : memref<2048xf32, #tpu.memory_space<vmem>>, vector<16xf32>,
    %swap3A_322 = arith.constant 1936 : index
    %swap3A_323 = tpu.vector_load %arg9[%swap3A_322] {strides = array<i32>} : memref<2048xf32, #tpu.memory_space<vmem>>, vector<16xf32>,
    tpu.vector_store %arg9[%swap3A_322], %broadcast_in_dim3A_80 {strides = array<i32>} : memref<2048xf32, #tpu.memory_space<vmem>>, vector<16xf32>,
    %swap3A_324 = arith.constant 1952 : index
    %swap3A_325 = tpu.vector_load %arg9[%swap3A_324] {strides = array<i32>} : memref<2048xf32, #tpu.memory_space<vmem>>, vector<16xf32>,
    tpu.vector_store %arg9[%swap3A_324], %broadcast_in_dim3A_80 {strides = array<i32>} : memref<2048xf32, #tpu.memory_space<vmem>>, vector<16xf32>,
    %swap3A_326 = arith.constant 1968 : index
    %swap3A_327 = tpu.vector_load %arg9[%swap3A_326] {strides = array<i32>} : memref<2048xf32, #tpu.memory_space<vmem>>, vector<16xf32>,
    tpu.vector_store %arg9[%swap3A_326], %broadcast_in_dim3A_80 {strides = array<i32>} : memref<2048xf32, #tpu.memory_space<vmem>>, vector<16xf32>,
    %swap3A_328 = arith.constant 1984 : index
    %swap3A_329 = tpu.vector_load %arg9[%swap3A_328] {strides = array<i32>} : memref<2048xf32, #tpu.memory_space<vmem>>, vector<16xf32>,
    tpu.vector_store %arg9[%swap3A_328], %broadcast_in_dim3A_80 {strides = array<i32>} : memref<2048xf32, #tpu.memory_space<vmem>>, vector<16xf32>,
    %swap3A_330 = arith.constant 2000 : index
    %swap3A_331 = tpu.vector_load %arg9[%swap3A_330] {strides = array<i32>} : memref<2048xf32, #tpu.memory_space<vmem>>, vector<16xf32>,
    tpu.vector_store %arg9[%swap3A_330], %broadcast_in_dim3A_80 {strides = array<i32>} : memref<2048xf32, #tpu.memory_space<vmem>>, vector<16xf32>,
    %swap3A_332 = arith.constant 2016 : index
    %swap3A_333 = tpu.vector_load %arg9[%swap3A_332] {strides = array<i32>} : memref<2048xf32, #tpu.memory_space<vmem>>, vector<16xf32>,
    tpu.vector_store %arg9[%swap3A_332], %broadcast_in_dim3A_80 {strides = array<i32>} : memref<2048xf32, #tpu.memory_space<vmem>>, vector<16xf32>,
    %swap3A_334 = arith.constant 2032 : index
    %swap3A_335 = tpu.vector_load %arg9[%swap3A_334] {strides = array<i32>} : memref<2048xf32, #tpu.memory_space<vmem>>, vector<16xf32>,
    tpu.vector_store %arg9[%swap3A_334], %broadcast_in_dim3A_80 {strides = array<i32>} : memref<2048xf32, #tpu.memory_space<vmem>>, vector<16xf32>,
    %dma_wait3A = arith.constant 0 : i32
    %dma_wait3A_336 = arith.constant 0 : i32
    %dma_wait3A_337 = tpu.memref_slice %arg6[%dma_wait3A_336] : memref<256xi32, #tpu.memory_space<vmem>> -> memref<32xi32, #tpu.memory_space<vmem>>
    %dma_wait3A_338 = tpu.memref_slice %arg2[%dma_wait3A, %mul3A_2] : memref<8x1024xi32, #tpu.memory_space<hbm>> -> memref<1x32xi32, #tpu.memory_space<hbm>>
    %dma_wait3A_339 = tpu.memref_squeeze %dma_wait3A_338 : memref<1x32xi32, #tpu.memory_space<hbm>> -> memref<32xi32, #tpu.memory_space<hbm>>
    %dma_wait3A_340 = arith.constant 0 : i32
    %dma_wait3A_341 = tpu.memref_slice %arg6[%dma_wait3A_340] : memref<256xi32, #tpu.memory_space<vmem>> -> memref<32xi32, #tpu.memory_space<vmem>>
    %dma_wait3A_342 = tpu.memref_slice %arg2[%dma_wait3A, %mul3A_2] : memref<8x1024xi32, #tpu.memory_space<hbm>> -> memref<1x32xi32, #tpu.memory_space<hbm>>
    %dma_wait3A_343 = tpu.memref_squeeze %dma_wait3A_342 : memref<1x32xi32, #tpu.memory_space<hbm>> -> memref<32xi32, #tpu.memory_space<hbm>>
    tpu.wait_dma2 semaphore(%arg11 : memref<!tpu.dma_semaphore, #tpu.memory_space<semaphore_mem>>) src(%dma_wait3A_343 : memref<32xi32, #tpu.memory_space<hbm>>) dst(%dma_wait3A_341 : memref<32xi32, #tpu.memory_space<vmem>>)
    %dma_wait3A_344 = arith.constant 1 : i32
    %dma_wait3A_345 = arith.constant 32 : i32
    %dma_wait3A_346 = tpu.memref_slice %arg6[%dma_wait3A_345] : memref<256xi32, #tpu.memory_space<vmem>> -> memref<32xi32, #tpu.memory_space<vmem>>
    %dma_wait3A_347 = tpu.memref_slice %arg2[%dma_wait3A_344, %mul3A_2] : memref<8x1024xi32, #tpu.memory_space<hbm>> -> memref<1x32xi32, #tpu.memory_space<hbm>>
    %dma_wait3A_348 = tpu.memref_squeeze %dma_wait3A_347 : memref<1x32xi32, #tpu.memory_space<hbm>> -> memref<32xi32, #tpu.memory_space<hbm>>
    %dma_wait3A_349 = arith.constant 32 : i32
    %dma_wait3A_350 = tpu.memref_slice %arg6[%dma_wait3A_349] : memref<256xi32, #tpu.memory_space<vmem>> -> memref<32xi32, #tpu.memory_space<vmem>>
    %dma_wait3A_351 = tpu.memref_slice %arg2[%dma_wait3A_344, %mul3A_2] : memref<8x1024xi32, #tpu.memory_space<hbm>> -> memref<1x32xi32, #tpu.memory_space<hbm>>
    %dma_wait3A_352 = tpu.memref_squeeze %dma_wait3A_351 : memref<1x32xi32, #tpu.memory_space<hbm>> -> memref<32xi32, #tpu.memory_space<hbm>>
    tpu.wait_dma2 semaphore(%arg11 : memref<!tpu.dma_semaphore, #tpu.memory_space<semaphore_mem>>) src(%dma_wait3A_352 : memref<32xi32, #tpu.memory_space<hbm>>) dst(%dma_wait3A_350 : memref<32xi32, #tpu.memory_space<vmem>>)
    %dma_wait3A_353 = arith.constant 2 : i32
    %dma_wait3A_354 = arith.constant 64 : i32
    %dma_wait3A_355 = tpu.memref_slice %arg6[%dma_wait3A_354] : memref<256xi32, #tpu.memory_space<vmem>> -> memref<32xi32, #tpu.memory_space<vmem>>
    %dma_wait3A_356 = tpu.memref_slice %arg2[%dma_wait3A_353, %mul3A_2] : memref<8x1024xi32, #tpu.memory_space<hbm>> -> memref<1x32xi32, #tpu.memory_space<hbm>>
    %dma_wait3A_357 = tpu.memref_squeeze %dma_wait3A_356 : memref<1x32xi32, #tpu.memory_space<hbm>> -> memref<32xi32, #tpu.memory_space<hbm>>
    %dma_wait3A_358 = arith.constant 64 : i32
    %dma_wait3A_359 = tpu.memref_slice %arg6[%dma_wait3A_358] : memref<256xi32, #tpu.memory_space<vmem>> -> memref<32xi32, #tpu.memory_space<vmem>>
    %dma_wait3A_360 = tpu.memref_slice %arg2[%dma_wait3A_353, %mul3A_2] : memref<8x1024xi32, #tpu.memory_space<hbm>> -> memref<1x32xi32, #tpu.memory_space<hbm>>
    %dma_wait3A_361 = tpu.memref_squeeze %dma_wait3A_360 : memref<1x32xi32, #tpu.memory_space<hbm>> -> memref<32xi32, #tpu.memory_space<hbm>>
    tpu.wait_dma2 semaphore(%arg11 : memref<!tpu.dma_semaphore, #tpu.memory_space<semaphore_mem>>) src(%dma_wait3A_361 : memref<32xi32, #tpu.memory_space<hbm>>) dst(%dma_wait3A_359 : memref<32xi32, #tpu.memory_space<vmem>>)
    %dma_wait3A_362 = arith.constant 3 : i32
    %dma_wait3A_363 = arith.constant 96 : i32
    %dma_wait3A_364 = tpu.memref_slice %arg6[%dma_wait3A_363] : memref<256xi32, #tpu.memory_space<vmem>> -> memref<32xi32, #tpu.memory_space<vmem>>
    %dma_wait3A_365 = tpu.memref_slice %arg2[%dma_wait3A_362, %mul3A_2] : memref<8x1024xi32, #tpu.memory_space<hbm>> -> memref<1x32xi32, #tpu.memory_space<hbm>>
    %dma_wait3A_366 = tpu.memref_squeeze %dma_wait3A_365 : memref<1x32xi32, #tpu.memory_space<hbm>> -> memref<32xi32, #tpu.memory_space<hbm>>
    %dma_wait3A_367 = arith.constant 96 : i32
    %dma_wait3A_368 = tpu.memref_slice %arg6[%dma_wait3A_367] : memref<256xi32, #tpu.memory_space<vmem>> -> memref<32xi32, #tpu.memory_space<vmem>>
    %dma_wait3A_369 = tpu.memref_slice %arg2[%dma_wait3A_362, %mul3A_2] : memref<8x1024xi32, #tpu.memory_space<hbm>> -> memref<1x32xi32, #tpu.memory_space<hbm>>
    %dma_wait3A_370 = tpu.memref_squeeze %dma_wait3A_369 : memref<1x32xi32, #tpu.memory_space<hbm>> -> memref<32xi32, #tpu.memory_space<hbm>>
    tpu.wait_dma2 semaphore(%arg11 : memref<!tpu.dma_semaphore, #tpu.memory_space<semaphore_mem>>) src(%dma_wait3A_370 : memref<32xi32, #tpu.memory_space<hbm>>) dst(%dma_wait3A_368 : memref<32xi32, #tpu.memory_space<vmem>>)
    %dma_wait3A_371 = arith.constant 4 : i32
    %dma_wait3A_372 = arith.constant 128 : i32
    %dma_wait3A_373 = tpu.memref_slice %arg6[%dma_wait3A_372] : memref<256xi32, #tpu.memory_space<vmem>> -> memref<32xi32, #tpu.memory_space<vmem>>
    %dma_wait3A_374 = tpu.memref_slice %arg2[%dma_wait3A_371, %mul3A_2] : memref<8x1024xi32, #tpu.memory_space<hbm>> -> memref<1x32xi32, #tpu.memory_space<hbm>>
    %dma_wait3A_375 = tpu.memref_squeeze %dma_wait3A_374 : memref<1x32xi32, #tpu.memory_space<hbm>> -> memref<32xi32, #tpu.memory_space<hbm>>
    %dma_wait3A_376 = arith.constant 128 : i32
    %dma_wait3A_377 = tpu.memref_slice %arg6[%dma_wait3A_376] : memref<256xi32, #tpu.memory_space<vmem>> -> memref<32xi32, #tpu.memory_space<vmem>>
    %dma_wait3A_378 = tpu.memref_slice %arg2[%dma_wait3A_371, %mul3A_2] : memref<8x1024xi32, #tpu.memory_space<hbm>> -> memref<1x32xi32, #tpu.memory_space<hbm>>
    %dma_wait3A_379 = tpu.memref_squeeze %dma_wait3A_378 : memref<1x32xi32, #tpu.memory_space<hbm>> -> memref<32xi32, #tpu.memory_space<hbm>>
    tpu.wait_dma2 semaphore(%arg11 : memref<!tpu.dma_semaphore, #tpu.memory_space<semaphore_mem>>) src(%dma_wait3A_379 : memref<32xi32, #tpu.memory_space<hbm>>) dst(%dma_wait3A_377 : memref<32xi32, #tpu.memory_space<vmem>>)
    %dma_wait3A_380 = arith.constant 5 : i32
    %dma_wait3A_381 = arith.constant 160 : i32
    %dma_wait3A_382 = tpu.memref_slice %arg6[%dma_wait3A_381] : memref<256xi32, #tpu.memory_space<vmem>> -> memref<32xi32, #tpu.memory_space<vmem>>
    %dma_wait3A_383 = tpu.memref_slice %arg2[%dma_wait3A_380, %mul3A_2] : memref<8x1024xi32, #tpu.memory_space<hbm>> -> memref<1x32xi32, #tpu.memory_space<hbm>>
    %dma_wait3A_384 = tpu.memref_squeeze %dma_wait3A_383 : memref<1x32xi32, #tpu.memory_space<hbm>> -> memref<32xi32, #tpu.memory_space<hbm>>
    %dma_wait3A_385 = arith.constant 160 : i32
    %dma_wait3A_386 = tpu.memref_slice %arg6[%dma_wait3A_385] : memref<256xi32, #tpu.memory_space<vmem>> -> memref<32xi32, #tpu.memory_space<vmem>>
    %dma_wait3A_387 = tpu.memref_slice %arg2[%dma_wait3A_380, %mul3A_2] : memref<8x1024xi32, #tpu.memory_space<hbm>> -> memref<1x32xi32, #tpu.memory_space<hbm>>
    %dma_wait3A_388 = tpu.memref_squeeze %dma_wait3A_387 : memref<1x32xi32, #tpu.memory_space<hbm>> -> memref<32xi32, #tpu.memory_space<hbm>>
    tpu.wait_dma2 semaphore(%arg11 : memref<!tpu.dma_semaphore, #tpu.memory_space<semaphore_mem>>) src(%dma_wait3A_388 : memref<32xi32, #tpu.memory_space<hbm>>) dst(%dma_wait3A_386 : memref<32xi32, #tpu.memory_space<vmem>>)
    %dma_wait3A_389 = arith.constant 6 : i32
    %dma_wait3A_390 = arith.constant 192 : i32
    %dma_wait3A_391 = tpu.memref_slice %arg6[%dma_wait3A_390] : memref<256xi32, #tpu.memory_space<vmem>> -> memref<32xi32, #tpu.memory_space<vmem>>
    %dma_wait3A_392 = tpu.memref_slice %arg2[%dma_wait3A_389, %mul3A_2] : memref<8x1024xi32, #tpu.memory_space<hbm>> -> memref<1x32xi32, #tpu.memory_space<hbm>>
    %dma_wait3A_393 = tpu.memref_squeeze %dma_wait3A_392 : memref<1x32xi32, #tpu.memory_space<hbm>> -> memref<32xi32, #tpu.memory_space<hbm>>
    %dma_wait3A_394 = arith.constant 192 : i32
    %dma_wait3A_395 = tpu.memref_slice %arg6[%dma_wait3A_394] : memref<256xi32, #tpu.memory_space<vmem>> -> memref<32xi32, #tpu.memory_space<vmem>>
    %dma_wait3A_396 = tpu.memref_slice %arg2[%dma_wait3A_389, %mul3A_2] : memref<8x1024xi32, #tpu.memory_space<hbm>> -> memref<1x32xi32, #tpu.memory_space<hbm>>
    %dma_wait3A_397 = tpu.memref_squeeze %dma_wait3A_396 : memref<1x32xi32, #tpu.memory_space<hbm>> -> memref<32xi32, #tpu.memory_space<hbm>>
    tpu.wait_dma2 semaphore(%arg11 : memref<!tpu.dma_semaphore, #tpu.memory_space<semaphore_mem>>) src(%dma_wait3A_397 : memref<32xi32, #tpu.memory_space<hbm>>) dst(%dma_wait3A_395 : memref<32xi32, #tpu.memory_space<vmem>>)
    %dma_wait3A_398 = arith.constant 7 : i32
    %dma_wait3A_399 = arith.constant 224 : i32
    %dma_wait3A_400 = tpu.memref_slice %arg6[%dma_wait3A_399] : memref<256xi32, #tpu.memory_space<vmem>> -> memref<32xi32, #tpu.memory_space<vmem>>
    %dma_wait3A_401 = tpu.memref_slice %arg2[%dma_wait3A_398, %mul3A_2] : memref<8x1024xi32, #tpu.memory_space<hbm>> -> memref<1x32xi32, #tpu.memory_space<hbm>>
    %dma_wait3A_402 = tpu.memref_squeeze %dma_wait3A_401 : memref<1x32xi32, #tpu.memory_space<hbm>> -> memref<32xi32, #tpu.memory_space<hbm>>
    %dma_wait3A_403 = arith.constant 224 : i32
    %dma_wait3A_404 = tpu.memref_slice %arg6[%dma_wait3A_403] : memref<256xi32, #tpu.memory_space<vmem>> -> memref<32xi32, #tpu.memory_space<vmem>>
    %dma_wait3A_405 = tpu.memref_slice %arg2[%dma_wait3A_398, %mul3A_2] : memref<8x1024xi32, #tpu.memory_space<hbm>> -> memref<1x32xi32, #tpu.memory_space<hbm>>
    %dma_wait3A_406 = tpu.memref_squeeze %dma_wait3A_405 : memref<1x32xi32, #tpu.memory_space<hbm>> -> memref<32xi32, #tpu.memory_space<hbm>>
    tpu.wait_dma2 semaphore(%arg11 : memref<!tpu.dma_semaphore, #tpu.memory_space<semaphore_mem>>) src(%dma_wait3A_406 : memref<32xi32, #tpu.memory_space<hbm>>) dst(%dma_wait3A_404 : memref<32xi32, #tpu.memory_space<vmem>>)
    %broadcast_in_dim3A_407 = arith.constant 1.000000e+00 : f32
    %broadcast_in_dim3A_408 = vector.broadcast %broadcast_in_dim3A_407 : f32 to vector<16xf32>
    %get3A = arith.constant 0 : index
    %get3A_409 = tpu.vector_load %arg6[%get3A] {strides = array<i32>} : memref<256xi32, #tpu.memory_space<vmem>>, vector<16xi32>,
    tpu.vector_store_idx %arg9[%get3A_409], %broadcast_in_dim3A_408 {add = true} : memref<2048xf32, #tpu.memory_space<vmem>>[vector<16xi32>], vector<16xf32>,
    %get3A_410 = arith.constant 16 : index
    %get3A_411 = tpu.vector_load %arg6[%get3A_410] {strides = array<i32>} : memref<256xi32, #tpu.memory_space<vmem>>, vector<16xi32>,
    tpu.vector_store_idx %arg9[%get3A_411], %broadcast_in_dim3A_408 {add = true} : memref<2048xf32, #tpu.memory_space<vmem>>[vector<16xi32>], vector<16xf32>,
    %get3A_412 = arith.constant 32 : index
    %get3A_413 = tpu.vector_load %arg6[%get3A_412] {strides = array<i32>} : memref<256xi32, #tpu.memory_space<vmem>>, vector<16xi32>,
    tpu.vector_store_idx %arg9[%get3A_413], %broadcast_in_dim3A_408 {add = true} : memref<2048xf32, #tpu.memory_space<vmem>>[vector<16xi32>], vector<16xf32>,
    %get3A_414 = arith.constant 48 : index
    %get3A_415 = tpu.vector_load %arg6[%get3A_414] {strides = array<i32>} : memref<256xi32, #tpu.memory_space<vmem>>, vector<16xi32>,
    tpu.vector_store_idx %arg9[%get3A_415], %broadcast_in_dim3A_408 {add = true} : memref<2048xf32, #tpu.memory_space<vmem>>[vector<16xi32>], vector<16xf32>,
    %get3A_416 = arith.constant 64 : index
    %get3A_417 = tpu.vector_load %arg6[%get3A_416] {strides = array<i32>} : memref<256xi32, #tpu.memory_space<vmem>>, vector<16xi32>,
    tpu.vector_store_idx %arg9[%get3A_417], %broadcast_in_dim3A_408 {add = true} : memref<2048xf32, #tpu.memory_space<vmem>>[vector<16xi32>], vector<16xf32>,
    %get3A_418 = arith.constant 80 : index
    %get3A_419 = tpu.vector_load %arg6[%get3A_418] {strides = array<i32>} : memref<256xi32, #tpu.memory_space<vmem>>, vector<16xi32>,
    tpu.vector_store_idx %arg9[%get3A_419], %broadcast_in_dim3A_408 {add = true} : memref<2048xf32, #tpu.memory_space<vmem>>[vector<16xi32>], vector<16xf32>,
    %get3A_420 = arith.constant 96 : index
    %get3A_421 = tpu.vector_load %arg6[%get3A_420] {strides = array<i32>} : memref<256xi32, #tpu.memory_space<vmem>>, vector<16xi32>,
    tpu.vector_store_idx %arg9[%get3A_421], %broadcast_in_dim3A_408 {add = true} : memref<2048xf32, #tpu.memory_space<vmem>>[vector<16xi32>], vector<16xf32>,
    %get3A_422 = arith.constant 112 : index
    %get3A_423 = tpu.vector_load %arg6[%get3A_422] {strides = array<i32>} : memref<256xi32, #tpu.memory_space<vmem>>, vector<16xi32>,
    tpu.vector_store_idx %arg9[%get3A_423], %broadcast_in_dim3A_408 {add = true} : memref<2048xf32, #tpu.memory_space<vmem>>[vector<16xi32>], vector<16xf32>,
    %get3A_424 = arith.constant 128 : index
    %get3A_425 = tpu.vector_load %arg6[%get3A_424] {strides = array<i32>} : memref<256xi32, #tpu.memory_space<vmem>>, vector<16xi32>,
    tpu.vector_store_idx %arg9[%get3A_425], %broadcast_in_dim3A_408 {add = true} : memref<2048xf32, #tpu.memory_space<vmem>>[vector<16xi32>], vector<16xf32>,
    %get3A_426 = arith.constant 144 : index
    %get3A_427 = tpu.vector_load %arg6[%get3A_426] {strides = array<i32>} : memref<256xi32, #tpu.memory_space<vmem>>, vector<16xi32>,
    tpu.vector_store_idx %arg9[%get3A_427], %broadcast_in_dim3A_408 {add = true} : memref<2048xf32, #tpu.memory_space<vmem>>[vector<16xi32>], vector<16xf32>,
    %get3A_428 = arith.constant 160 : index
    %get3A_429 = tpu.vector_load %arg6[%get3A_428] {strides = array<i32>} : memref<256xi32, #tpu.memory_space<vmem>>, vector<16xi32>,
    tpu.vector_store_idx %arg9[%get3A_429], %broadcast_in_dim3A_408 {add = true} : memref<2048xf32, #tpu.memory_space<vmem>>[vector<16xi32>], vector<16xf32>,
    %get3A_430 = arith.constant 176 : index
    %get3A_431 = tpu.vector_load %arg6[%get3A_430] {strides = array<i32>} : memref<256xi32, #tpu.memory_space<vmem>>, vector<16xi32>,
    tpu.vector_store_idx %arg9[%get3A_431], %broadcast_in_dim3A_408 {add = true} : memref<2048xf32, #tpu.memory_space<vmem>>[vector<16xi32>], vector<16xf32>,
    %get3A_432 = arith.constant 192 : index
    %get3A_433 = tpu.vector_load %arg6[%get3A_432] {strides = array<i32>} : memref<256xi32, #tpu.memory_space<vmem>>, vector<16xi32>,
    tpu.vector_store_idx %arg9[%get3A_433], %broadcast_in_dim3A_408 {add = true} : memref<2048xf32, #tpu.memory_space<vmem>>[vector<16xi32>], vector<16xf32>,
    %get3A_434 = arith.constant 208 : index
    %get3A_435 = tpu.vector_load %arg6[%get3A_434] {strides = array<i32>} : memref<256xi32, #tpu.memory_space<vmem>>, vector<16xi32>,
    tpu.vector_store_idx %arg9[%get3A_435], %broadcast_in_dim3A_408 {add = true} : memref<2048xf32, #tpu.memory_space<vmem>>[vector<16xi32>], vector<16xf32>,
    %get3A_436 = arith.constant 224 : index
    %get3A_437 = tpu.vector_load %arg6[%get3A_436] {strides = array<i32>} : memref<256xi32, #tpu.memory_space<vmem>>, vector<16xi32>,
    tpu.vector_store_idx %arg9[%get3A_437], %broadcast_in_dim3A_408 {add = true} : memref<2048xf32, #tpu.memory_space<vmem>>[vector<16xi32>], vector<16xf32>,
    %get3A_438 = arith.constant 240 : index
    %get3A_439 = tpu.vector_load %arg6[%get3A_438] {strides = array<i32>} : memref<256xi32, #tpu.memory_space<vmem>>, vector<16xi32>,
    tpu.vector_store_idx %arg9[%get3A_439], %broadcast_in_dim3A_408 {add = true} : memref<2048xf32, #tpu.memory_space<vmem>>[vector<16xi32>], vector<16xf32>,
    tpu.wait_dma2 semaphore(%arg13 : memref<!tpu.dma_semaphore, #tpu.memory_space<semaphore_mem>>) src(%arg4 : memref<16xf32, #tpu.memory_space<hbm>>) dst(%arg8 : memref<16xf32, #tpu.memory_space<vmem>>)
    %dma_wait3A_440 = tpu.memref_slice %arg3[%mul3A_77] : memref<131072xi32, #tpu.memory_space<hbm>> -> memref<4096xi32, #tpu.memory_space<hbm>>
    %dma_wait3A_441 = tpu.memref_slice %arg3[%mul3A_77] : memref<131072xi32, #tpu.memory_space<hbm>> -> memref<4096xi32, #tpu.memory_space<hbm>>
    tpu.wait_dma2 semaphore(%arg12 : memref<!tpu.dma_semaphore, #tpu.memory_space<semaphore_mem>>) src(%dma_wait3A_441 : memref<4096xi32, #tpu.memory_space<hbm>>) dst(%arg7 : memref<4096xi32, #tpu.memory_space<vmem>>)
    %broadcast_in_dim3A_442 = arith.constant 0.000000e+00 : f32
    %broadcast_in_dim3A_443 = vector.broadcast %broadcast_in_dim3A_442 : f32 to vector<16xf32>
    %broadcast_in_dim3A_444 = arith.constant 0.000000e+00 : f32
    %broadcast_in_dim3A_445 = vector.broadcast %broadcast_in_dim3A_444 : f32 to vector<16xf32>
    %get3A_446 = arith.constant 0 : index
    %get3A_447 = tpu.vector_load %arg7[%get3A_446] {strides = array<i32>} : memref<4096xi32, #tpu.memory_space<vmem>>, vector<16xi32>,
    %get3A_448 = arith.constant 16 : index
    %get3A_449 = tpu.vector_load %arg7[%get3A_448] {strides = array<i32>} : memref<4096xi32, #tpu.memory_space<vmem>>, vector<16xi32>,
    %gather3A = tpu.vector_load_idx %arg9[%get3A_447] : memref<2048xf32, #tpu.memory_space<vmem>>[vector<16xi32>], vector<16xf32>,
    %convert_element_type3A = arith.fptosi %gather3A : vector<16xf32> to vector<16xi32>
    %gather3A_450 = tpu.vector_load_idx %arg9[%get3A_449] : memref<2048xf32, #tpu.memory_space<vmem>>[vector<16xi32>], vector<16xf32>,
    %convert_element_type3A_451 = arith.fptosi %gather3A_450 : vector<16xf32> to vector<16xi32>
    %gather3A_452 = tpu.vector_load_idx %arg8[%convert_element_type3A] : memref<16xf32, #tpu.memory_space<vmem>>[vector<16xi32>], vector<16xf32>,
    %add3A_453 = arith.addf %broadcast_in_dim3A_443, %gather3A_452 : vector<16xf32>
    %gather3A_454 = tpu.vector_load_idx %arg8[%convert_element_type3A_451] : memref<16xf32, #tpu.memory_space<vmem>>[vector<16xi32>], vector<16xf32>,
    %add3A_455 = arith.addf %broadcast_in_dim3A_445, %gather3A_454 : vector<16xf32>
    %get3A_456 = arith.constant 128 : index
    %get3A_457 = tpu.vector_load %arg7[%get3A_456] {strides = array<i32>} : memref<4096xi32, #tpu.memory_space<vmem>>, vector<16xi32>,
    %get3A_458 = arith.constant 144 : index
    %get3A_459 = tpu.vector_load %arg7[%get3A_458] {strides = array<i32>} : memref<4096xi32, #tpu.memory_space<vmem>>, vector<16xi32>,
    %gather3A_460 = tpu.vector_load_idx %arg9[%get3A_457] : memref<2048xf32, #tpu.memory_space<vmem>>[vector<16xi32>], vector<16xf32>,
    %convert_element_type3A_461 = arith.fptosi %gather3A_460 : vector<16xf32> to vector<16xi32>
    %gather3A_462 = tpu.vector_load_idx %arg9[%get3A_459] : memref<2048xf32, #tpu.memory_space<vmem>>[vector<16xi32>], vector<16xf32>,
    %convert_element_type3A_463 = arith.fptosi %gather3A_462 : vector<16xf32> to vector<16xi32>
    %gather3A_464 = tpu.vector_load_idx %arg8[%convert_element_type3A_461] : memref<16xf32, #tpu.memory_space<vmem>>[vector<16xi32>], vector<16xf32>,
    %add3A_465 = arith.addf %add3A_453, %gather3A_464 : vector<16xf32>
    %gather3A_466 = tpu.vector_load_idx %arg8[%convert_element_type3A_463] : memref<16xf32, #tpu.memory_space<vmem>>[vector<16xi32>], vector<16xf32>,
    %add3A_467 = arith.addf %add3A_455, %gather3A_466 : vector<16xf32>
    %get3A_468 = arith.constant 256 : index
    %get3A_469 = tpu.vector_load %arg7[%get3A_468] {strides = array<i32>} : memref<4096xi32, #tpu.memory_space<vmem>>, vector<16xi32>,
    %get3A_470 = arith.constant 272 : index
    %get3A_471 = tpu.vector_load %arg7[%get3A_470] {strides = array<i32>} : memref<4096xi32, #tpu.memory_space<vmem>>, vector<16xi32>,
    %gather3A_472 = tpu.vector_load_idx %arg9[%get3A_469] : memref<2048xf32, #tpu.memory_space<vmem>>[vector<16xi32>], vector<16xf32>,
    %convert_element_type3A_473 = arith.fptosi %gather3A_472 : vector<16xf32> to vector<16xi32>
    %gather3A_474 = tpu.vector_load_idx %arg9[%get3A_471] : memref<2048xf32, #tpu.memory_space<vmem>>[vector<16xi32>], vector<16xf32>,
    %convert_element_type3A_475 = arith.fptosi %gather3A_474 : vector<16xf32> to vector<16xi32>
    %gather3A_476 = tpu.vector_load_idx %arg8[%convert_element_type3A_473] : memref<16xf32, #tpu.memory_space<vmem>>[vector<16xi32>], vector<16xf32>,
    %add3A_477 = arith.addf %add3A_465, %gather3A_476 : vector<16xf32>
    %gather3A_478 = tpu.vector_load_idx %arg8[%convert_element_type3A_475] : memref<16xf32, #tpu.memory_space<vmem>>[vector<16xi32>], vector<16xf32>,
    %add3A_479 = arith.addf %add3A_467, %gather3A_478 : vector<16xf32>
    %get3A_480 = arith.constant 384 : index
    %get3A_481 = tpu.vector_load %arg7[%get3A_480] {strides = array<i32>} : memref<4096xi32, #tpu.memory_space<vmem>>, vector<16xi32>,
    %get3A_482 = arith.constant 400 : index
    %get3A_483 = tpu.vector_load %arg7[%get3A_482] {strides = array<i32>} : memref<4096xi32, #tpu.memory_space<vmem>>, vector<16xi32>,
    %gather3A_484 = tpu.vector_load_idx %arg9[%get3A_481] : memref<2048xf32, #tpu.memory_space<vmem>>[vector<16xi32>], vector<16xf32>,
    %convert_element_type3A_485 = arith.fptosi %gather3A_484 : vector<16xf32> to vector<16xi32>
    %gather3A_486 = tpu.vector_load_idx %arg9[%get3A_483] : memref<2048xf32, #tpu.memory_space<vmem>>[vector<16xi32>], vector<16xf32>,
    %convert_element_type3A_487 = arith.fptosi %gather3A_486 : vector<16xf32> to vector<16xi32>
    %gather3A_488 = tpu.vector_load_idx %arg8[%convert_element_type3A_485] : memref<16xf32, #tpu.memory_space<vmem>>[vector<16xi32>], vector<16xf32>,
    %add3A_489 = arith.addf %add3A_477, %gather3A_488 : vector<16xf32>
    %gather3A_490 = tpu.vector_load_idx %arg8[%convert_element_type3A_487] : memref<16xf32, #tpu.memory_space<vmem>>[vector<16xi32>], vector<16xf32>,
    %add3A_491 = arith.addf %add3A_479, %gather3A_490 : vector<16xf32>
    %get3A_492 = arith.constant 512 : index
    %get3A_493 = tpu.vector_load %arg7[%get3A_492] {strides = array<i32>} : memref<4096xi32, #tpu.memory_space<vmem>>, vector<16xi32>,
    %get3A_494 = arith.constant 528 : index
    %get3A_495 = tpu.vector_load %arg7[%get3A_494] {strides = array<i32>} : memref<4096xi32, #tpu.memory_space<vmem>>, vector<16xi32>,
    %gather3A_496 = tpu.vector_load_idx %arg9[%get3A_493] : memref<2048xf32, #tpu.memory_space<vmem>>[vector<16xi32>], vector<16xf32>,
    %convert_element_type3A_497 = arith.fptosi %gather3A_496 : vector<16xf32> to vector<16xi32>
    %gather3A_498 = tpu.vector_load_idx %arg9[%get3A_495] : memref<2048xf32, #tpu.memory_space<vmem>>[vector<16xi32>], vector<16xf32>,
    %convert_element_type3A_499 = arith.fptosi %gather3A_498 : vector<16xf32> to vector<16xi32>
    %gather3A_500 = tpu.vector_load_idx %arg8[%convert_element_type3A_497] : memref<16xf32, #tpu.memory_space<vmem>>[vector<16xi32>], vector<16xf32>,
    %add3A_501 = arith.addf %add3A_489, %gather3A_500 : vector<16xf32>
    %gather3A_502 = tpu.vector_load_idx %arg8[%convert_element_type3A_499] : memref<16xf32, #tpu.memory_space<vmem>>[vector<16xi32>], vector<16xf32>,
    %add3A_503 = arith.addf %add3A_491, %gather3A_502 : vector<16xf32>
    %get3A_504 = arith.constant 640 : index
    %get3A_505 = tpu.vector_load %arg7[%get3A_504] {strides = array<i32>} : memref<4096xi32, #tpu.memory_space<vmem>>, vector<16xi32>,
    %get3A_506 = arith.constant 656 : index
    %get3A_507 = tpu.vector_load %arg7[%get3A_506] {strides = array<i32>} : memref<4096xi32, #tpu.memory_space<vmem>>, vector<16xi32>,
    %gather3A_508 = tpu.vector_load_idx %arg9[%get3A_505] : memref<2048xf32, #tpu.memory_space<vmem>>[vector<16xi32>], vector<16xf32>,
    %convert_element_type3A_509 = arith.fptosi %gather3A_508 : vector<16xf32> to vector<16xi32>
    %gather3A_510 = tpu.vector_load_idx %arg9[%get3A_507] : memref<2048xf32, #tpu.memory_space<vmem>>[vector<16xi32>], vector<16xf32>,
    %convert_element_type3A_511 = arith.fptosi %gather3A_510 : vector<16xf32> to vector<16xi32>
    %gather3A_512 = tpu.vector_load_idx %arg8[%convert_element_type3A_509] : memref<16xf32, #tpu.memory_space<vmem>>[vector<16xi32>], vector<16xf32>,
    %add3A_513 = arith.addf %add3A_501, %gather3A_512 : vector<16xf32>
    %gather3A_514 = tpu.vector_load_idx %arg8[%convert_element_type3A_511] : memref<16xf32, #tpu.memory_space<vmem>>[vector<16xi32>], vector<16xf32>,
    %add3A_515 = arith.addf %add3A_503, %gather3A_514 : vector<16xf32>
    %get3A_516 = arith.constant 768 : index
    %get3A_517 = tpu.vector_load %arg7[%get3A_516] {strides = array<i32>} : memref<4096xi32, #tpu.memory_space<vmem>>, vector<16xi32>,
    %get3A_518 = arith.constant 784 : index
    %get3A_519 = tpu.vector_load %arg7[%get3A_518] {strides = array<i32>} : memref<4096xi32, #tpu.memory_space<vmem>>, vector<16xi32>,
    %gather3A_520 = tpu.vector_load_idx %arg9[%get3A_517] : memref<2048xf32, #tpu.memory_space<vmem>>[vector<16xi32>], vector<16xf32>,
    %convert_element_type3A_521 = arith.fptosi %gather3A_520 : vector<16xf32> to vector<16xi32>
    %gather3A_522 = tpu.vector_load_idx %arg9[%get3A_519] : memref<2048xf32, #tpu.memory_space<vmem>>[vector<16xi32>], vector<16xf32>,
    %convert_element_type3A_523 = arith.fptosi %gather3A_522 : vector<16xf32> to vector<16xi32>
    %gather3A_524 = tpu.vector_load_idx %arg8[%convert_element_type3A_521] : memref<16xf32, #tpu.memory_space<vmem>>[vector<16xi32>], vector<16xf32>,
    %add3A_525 = arith.addf %add3A_513, %gather3A_524 : vector<16xf32>
    %gather3A_526 = tpu.vector_load_idx %arg8[%convert_element_type3A_523] : memref<16xf32, #tpu.memory_space<vmem>>[vector<16xi32>], vector<16xf32>,
    %add3A_527 = arith.addf %add3A_515, %gather3A_526 : vector<16xf32>
    %get3A_528 = arith.constant 896 : index
    %get3A_529 = tpu.vector_load %arg7[%get3A_528] {strides = array<i32>} : memref<4096xi32, #tpu.memory_space<vmem>>, vector<16xi32>,
    %get3A_530 = arith.constant 912 : index
    %get3A_531 = tpu.vector_load %arg7[%get3A_530] {strides = array<i32>} : memref<4096xi32, #tpu.memory_space<vmem>>, vector<16xi32>,
    %gather3A_532 = tpu.vector_load_idx %arg9[%get3A_529] : memref<2048xf32, #tpu.memory_space<vmem>>[vector<16xi32>], vector<16xf32>,
    %convert_element_type3A_533 = arith.fptosi %gather3A_532 : vector<16xf32> to vector<16xi32>
    %gather3A_534 = tpu.vector_load_idx %arg9[%get3A_531] : memref<2048xf32, #tpu.memory_space<vmem>>[vector<16xi32>], vector<16xf32>,
    %convert_element_type3A_535 = arith.fptosi %gather3A_534 : vector<16xf32> to vector<16xi32>
    %gather3A_536 = tpu.vector_load_idx %arg8[%convert_element_type3A_533] : memref<16xf32, #tpu.memory_space<vmem>>[vector<16xi32>], vector<16xf32>,
    %add3A_537 = arith.addf %add3A_525, %gather3A_536 : vector<16xf32>
    %gather3A_538 = tpu.vector_load_idx %arg8[%convert_element_type3A_535] : memref<16xf32, #tpu.memory_space<vmem>>[vector<16xi32>], vector<16xf32>,
    %add3A_539 = arith.addf %add3A_527, %gather3A_538 : vector<16xf32>
    %get3A_540 = arith.constant 1024 : index
    %get3A_541 = tpu.vector_load %arg7[%get3A_540] {strides = array<i32>} : memref<4096xi32, #tpu.memory_space<vmem>>, vector<16xi32>,
    %get3A_542 = arith.constant 1040 : index
    %get3A_543 = tpu.vector_load %arg7[%get3A_542] {strides = array<i32>} : memref<4096xi32, #tpu.memory_space<vmem>>, vector<16xi32>,
    %gather3A_544 = tpu.vector_load_idx %arg9[%get3A_541] : memref<2048xf32, #tpu.memory_space<vmem>>[vector<16xi32>], vector<16xf32>,
    %convert_element_type3A_545 = arith.fptosi %gather3A_544 : vector<16xf32> to vector<16xi32>
    %gather3A_546 = tpu.vector_load_idx %arg9[%get3A_543] : memref<2048xf32, #tpu.memory_space<vmem>>[vector<16xi32>], vector<16xf32>,
    %convert_element_type3A_547 = arith.fptosi %gather3A_546 : vector<16xf32> to vector<16xi32>
    %gather3A_548 = tpu.vector_load_idx %arg8[%convert_element_type3A_545] : memref<16xf32, #tpu.memory_space<vmem>>[vector<16xi32>], vector<16xf32>,
    %add3A_549 = arith.addf %add3A_537, %gather3A_548 : vector<16xf32>
    %gather3A_550 = tpu.vector_load_idx %arg8[%convert_element_type3A_547] : memref<16xf32, #tpu.memory_space<vmem>>[vector<16xi32>], vector<16xf32>,
    %add3A_551 = arith.addf %add3A_539, %gather3A_550 : vector<16xf32>
    %get3A_552 = arith.constant 1152 : index
    %get3A_553 = tpu.vector_load %arg7[%get3A_552] {strides = array<i32>} : memref<4096xi32, #tpu.memory_space<vmem>>, vector<16xi32>,
    %get3A_554 = arith.constant 1168 : index
    %get3A_555 = tpu.vector_load %arg7[%get3A_554] {strides = array<i32>} : memref<4096xi32, #tpu.memory_space<vmem>>, vector<16xi32>,
    %gather3A_556 = tpu.vector_load_idx %arg9[%get3A_553] : memref<2048xf32, #tpu.memory_space<vmem>>[vector<16xi32>], vector<16xf32>,
    %convert_element_type3A_557 = arith.fptosi %gather3A_556 : vector<16xf32> to vector<16xi32>
    %gather3A_558 = tpu.vector_load_idx %arg9[%get3A_555] : memref<2048xf32, #tpu.memory_space<vmem>>[vector<16xi32>], vector<16xf32>,
    %convert_element_type3A_559 = arith.fptosi %gather3A_558 : vector<16xf32> to vector<16xi32>
    %gather3A_560 = tpu.vector_load_idx %arg8[%convert_element_type3A_557] : memref<16xf32, #tpu.memory_space<vmem>>[vector<16xi32>], vector<16xf32>,
    %add3A_561 = arith.addf %add3A_549, %gather3A_560 : vector<16xf32>
    %gather3A_562 = tpu.vector_load_idx %arg8[%convert_element_type3A_559] : memref<16xf32, #tpu.memory_space<vmem>>[vector<16xi32>], vector<16xf32>,
    %add3A_563 = arith.addf %add3A_551, %gather3A_562 : vector<16xf32>
    %get3A_564 = arith.constant 1280 : index
    %get3A_565 = tpu.vector_load %arg7[%get3A_564] {strides = array<i32>} : memref<4096xi32, #tpu.memory_space<vmem>>, vector<16xi32>,
    %get3A_566 = arith.constant 1296 : index
    %get3A_567 = tpu.vector_load %arg7[%get3A_566] {strides = array<i32>} : memref<4096xi32, #tpu.memory_space<vmem>>, vector<16xi32>,
    %gather3A_568 = tpu.vector_load_idx %arg9[%get3A_565] : memref<2048xf32, #tpu.memory_space<vmem>>[vector<16xi32>], vector<16xf32>,
    %convert_element_type3A_569 = arith.fptosi %gather3A_568 : vector<16xf32> to vector<16xi32>
    %gather3A_570 = tpu.vector_load_idx %arg9[%get3A_567] : memref<2048xf32, #tpu.memory_space<vmem>>[vector<16xi32>], vector<16xf32>,
    %convert_element_type3A_571 = arith.fptosi %gather3A_570 : vector<16xf32> to vector<16xi32>
    %gather3A_572 = tpu.vector_load_idx %arg8[%convert_element_type3A_569] : memref<16xf32, #tpu.memory_space<vmem>>[vector<16xi32>], vector<16xf32>,
    %add3A_573 = arith.addf %add3A_561, %gather3A_572 : vector<16xf32>
    %gather3A_574 = tpu.vector_load_idx %arg8[%convert_element_type3A_571] : memref<16xf32, #tpu.memory_space<vmem>>[vector<16xi32>], vector<16xf32>,
    %add3A_575 = arith.addf %add3A_563, %gather3A_574 : vector<16xf32>
    %get3A_576 = arith.constant 1408 : index
    %get3A_577 = tpu.vector_load %arg7[%get3A_576] {strides = array<i32>} : memref<4096xi32, #tpu.memory_space<vmem>>, vector<16xi32>,
    %get3A_578 = arith.constant 1424 : index
    %get3A_579 = tpu.vector_load %arg7[%get3A_578] {strides = array<i32>} : memref<4096xi32, #tpu.memory_space<vmem>>, vector<16xi32>,
    %gather3A_580 = tpu.vector_load_idx %arg9[%get3A_577] : memref<2048xf32, #tpu.memory_space<vmem>>[vector<16xi32>], vector<16xf32>,
    %convert_element_type3A_581 = arith.fptosi %gather3A_580 : vector<16xf32> to vector<16xi32>
    %gather3A_582 = tpu.vector_load_idx %arg9[%get3A_579] : memref<2048xf32, #tpu.memory_space<vmem>>[vector<16xi32>], vector<16xf32>,
    %convert_element_type3A_583 = arith.fptosi %gather3A_582 : vector<16xf32> to vector<16xi32>
    %gather3A_584 = tpu.vector_load_idx %arg8[%convert_element_type3A_581] : memref<16xf32, #tpu.memory_space<vmem>>[vector<16xi32>], vector<16xf32>,
    %add3A_585 = arith.addf %add3A_573, %gather3A_584 : vector<16xf32>
    %gather3A_586 = tpu.vector_load_idx %arg8[%convert_element_type3A_583] : memref<16xf32, #tpu.memory_space<vmem>>[vector<16xi32>], vector<16xf32>,
    %add3A_587 = arith.addf %add3A_575, %gather3A_586 : vector<16xf32>
    %get3A_588 = arith.constant 1536 : index
    %get3A_589 = tpu.vector_load %arg7[%get3A_588] {strides = array<i32>} : memref<4096xi32, #tpu.memory_space<vmem>>, vector<16xi32>,
    %get3A_590 = arith.constant 1552 : index
    %get3A_591 = tpu.vector_load %arg7[%get3A_590] {strides = array<i32>} : memref<4096xi32, #tpu.memory_space<vmem>>, vector<16xi32>,
    %gather3A_592 = tpu.vector_load_idx %arg9[%get3A_589] : memref<2048xf32, #tpu.memory_space<vmem>>[vector<16xi32>], vector<16xf32>,
    %convert_element_type3A_593 = arith.fptosi %gather3A_592 : vector<16xf32> to vector<16xi32>
    %gather3A_594 = tpu.vector_load_idx %arg9[%get3A_591] : memref<2048xf32, #tpu.memory_space<vmem>>[vector<16xi32>], vector<16xf32>,
    %convert_element_type3A_595 = arith.fptosi %gather3A_594 : vector<16xf32> to vector<16xi32>
    %gather3A_596 = tpu.vector_load_idx %arg8[%convert_element_type3A_593] : memref<16xf32, #tpu.memory_space<vmem>>[vector<16xi32>], vector<16xf32>,
    %add3A_597 = arith.addf %add3A_585, %gather3A_596 : vector<16xf32>
    %gather3A_598 = tpu.vector_load_idx %arg8[%convert_element_type3A_595] : memref<16xf32, #tpu.memory_space<vmem>>[vector<16xi32>], vector<16xf32>,
    %add3A_599 = arith.addf %add3A_587, %gather3A_598 : vector<16xf32>
    %get3A_600 = arith.constant 1664 : index
    %get3A_601 = tpu.vector_load %arg7[%get3A_600] {strides = array<i32>} : memref<4096xi32, #tpu.memory_space<vmem>>, vector<16xi32>,
    %get3A_602 = arith.constant 1680 : index
    %get3A_603 = tpu.vector_load %arg7[%get3A_602] {strides = array<i32>} : memref<4096xi32, #tpu.memory_space<vmem>>, vector<16xi32>,
    %gather3A_604 = tpu.vector_load_idx %arg9[%get3A_601] : memref<2048xf32, #tpu.memory_space<vmem>>[vector<16xi32>], vector<16xf32>,
    %convert_element_type3A_605 = arith.fptosi %gather3A_604 : vector<16xf32> to vector<16xi32>
    %gather3A_606 = tpu.vector_load_idx %arg9[%get3A_603] : memref<2048xf32, #tpu.memory_space<vmem>>[vector<16xi32>], vector<16xf32>,
    %convert_element_type3A_607 = arith.fptosi %gather3A_606 : vector<16xf32> to vector<16xi32>
    %gather3A_608 = tpu.vector_load_idx %arg8[%convert_element_type3A_605] : memref<16xf32, #tpu.memory_space<vmem>>[vector<16xi32>], vector<16xf32>,
    %add3A_609 = arith.addf %add3A_597, %gather3A_608 : vector<16xf32>
    %gather3A_610 = tpu.vector_load_idx %arg8[%convert_element_type3A_607] : memref<16xf32, #tpu.memory_space<vmem>>[vector<16xi32>], vector<16xf32>,
    %add3A_611 = arith.addf %add3A_599, %gather3A_610 : vector<16xf32>
    %get3A_612 = arith.constant 1792 : index
    %get3A_613 = tpu.vector_load %arg7[%get3A_612] {strides = array<i32>} : memref<4096xi32, #tpu.memory_space<vmem>>, vector<16xi32>,
    %get3A_614 = arith.constant 1808 : index
    %get3A_615 = tpu.vector_load %arg7[%get3A_614] {strides = array<i32>} : memref<4096xi32, #tpu.memory_space<vmem>>, vector<16xi32>,
    %gather3A_616 = tpu.vector_load_idx %arg9[%get3A_613] : memref<2048xf32, #tpu.memory_space<vmem>>[vector<16xi32>], vector<16xf32>,
    %convert_element_type3A_617 = arith.fptosi %gather3A_616 : vector<16xf32> to vector<16xi32>
    %gather3A_618 = tpu.vector_load_idx %arg9[%get3A_615] : memref<2048xf32, #tpu.memory_space<vmem>>[vector<16xi32>], vector<16xf32>,
    %convert_element_type3A_619 = arith.fptosi %gather3A_618 : vector<16xf32> to vector<16xi32>
    %gather3A_620 = tpu.vector_load_idx %arg8[%convert_element_type3A_617] : memref<16xf32, #tpu.memory_space<vmem>>[vector<16xi32>], vector<16xf32>,
    %add3A_621 = arith.addf %add3A_609, %gather3A_620 : vector<16xf32>
    %gather3A_622 = tpu.vector_load_idx %arg8[%convert_element_type3A_619] : memref<16xf32, #tpu.memory_space<vmem>>[vector<16xi32>], vector<16xf32>,
    %add3A_623 = arith.addf %add3A_611, %gather3A_622 : vector<16xf32>
    %get3A_624 = arith.constant 1920 : index
    %get3A_625 = tpu.vector_load %arg7[%get3A_624] {strides = array<i32>} : memref<4096xi32, #tpu.memory_space<vmem>>, vector<16xi32>,
    %get3A_626 = arith.constant 1936 : index
    %get3A_627 = tpu.vector_load %arg7[%get3A_626] {strides = array<i32>} : memref<4096xi32, #tpu.memory_space<vmem>>, vector<16xi32>,
    %gather3A_628 = tpu.vector_load_idx %arg9[%get3A_625] : memref<2048xf32, #tpu.memory_space<vmem>>[vector<16xi32>], vector<16xf32>,
    %convert_element_type3A_629 = arith.fptosi %gather3A_628 : vector<16xf32> to vector<16xi32>
    %gather3A_630 = tpu.vector_load_idx %arg9[%get3A_627] : memref<2048xf32, #tpu.memory_space<vmem>>[vector<16xi32>], vector<16xf32>,
    %convert_element_type3A_631 = arith.fptosi %gather3A_630 : vector<16xf32> to vector<16xi32>
    %gather3A_632 = tpu.vector_load_idx %arg8[%convert_element_type3A_629] : memref<16xf32, #tpu.memory_space<vmem>>[vector<16xi32>], vector<16xf32>,
    %add3A_633 = arith.addf %add3A_621, %gather3A_632 : vector<16xf32>
    %gather3A_634 = tpu.vector_load_idx %arg8[%convert_element_type3A_631] : memref<16xf32, #tpu.memory_space<vmem>>[vector<16xi32>], vector<16xf32>,
    %add3A_635 = arith.addf %add3A_623, %gather3A_634 : vector<16xf32>
    %get3A_636 = arith.constant 2048 : index
    %get3A_637 = tpu.vector_load %arg7[%get3A_636] {strides = array<i32>} : memref<4096xi32, #tpu.memory_space<vmem>>, vector<16xi32>,
    %get3A_638 = arith.constant 2064 : index
    %get3A_639 = tpu.vector_load %arg7[%get3A_638] {strides = array<i32>} : memref<4096xi32, #tpu.memory_space<vmem>>, vector<16xi32>,
    %gather3A_640 = tpu.vector_load_idx %arg9[%get3A_637] : memref<2048xf32, #tpu.memory_space<vmem>>[vector<16xi32>], vector<16xf32>,
    %convert_element_type3A_641 = arith.fptosi %gather3A_640 : vector<16xf32> to vector<16xi32>
    %gather3A_642 = tpu.vector_load_idx %arg9[%get3A_639] : memref<2048xf32, #tpu.memory_space<vmem>>[vector<16xi32>], vector<16xf32>,
    %convert_element_type3A_643 = arith.fptosi %gather3A_642 : vector<16xf32> to vector<16xi32>
    %gather3A_644 = tpu.vector_load_idx %arg8[%convert_element_type3A_641] : memref<16xf32, #tpu.memory_space<vmem>>[vector<16xi32>], vector<16xf32>,
    %add3A_645 = arith.addf %add3A_633, %gather3A_644 : vector<16xf32>
    %gather3A_646 = tpu.vector_load_idx %arg8[%convert_element_type3A_643] : memref<16xf32, #tpu.memory_space<vmem>>[vector<16xi32>], vector<16xf32>,
    %add3A_647 = arith.addf %add3A_635, %gather3A_646 : vector<16xf32>
    %get3A_648 = arith.constant 2176 : index
    %get3A_649 = tpu.vector_load %arg7[%get3A_648] {strides = array<i32>} : memref<4096xi32, #tpu.memory_space<vmem>>, vector<16xi32>,
    %get3A_650 = arith.constant 2192 : index
    %get3A_651 = tpu.vector_load %arg7[%get3A_650] {strides = array<i32>} : memref<4096xi32, #tpu.memory_space<vmem>>, vector<16xi32>,
    %gather3A_652 = tpu.vector_load_idx %arg9[%get3A_649] : memref<2048xf32, #tpu.memory_space<vmem>>[vector<16xi32>], vector<16xf32>,
    %convert_element_type3A_653 = arith.fptosi %gather3A_652 : vector<16xf32> to vector<16xi32>
    %gather3A_654 = tpu.vector_load_idx %arg9[%get3A_651] : memref<2048xf32, #tpu.memory_space<vmem>>[vector<16xi32>], vector<16xf32>,
    %convert_element_type3A_655 = arith.fptosi %gather3A_654 : vector<16xf32> to vector<16xi32>
    %gather3A_656 = tpu.vector_load_idx %arg8[%convert_element_type3A_653] : memref<16xf32, #tpu.memory_space<vmem>>[vector<16xi32>], vector<16xf32>,
    %add3A_657 = arith.addf %add3A_645, %gather3A_656 : vector<16xf32>
    %gather3A_658 = tpu.vector_load_idx %arg8[%convert_element_type3A_655] : memref<16xf32, #tpu.memory_space<vmem>>[vector<16xi32>], vector<16xf32>,
    %add3A_659 = arith.addf %add3A_647, %gather3A_658 : vector<16xf32>
    %get3A_660 = arith.constant 2304 : index
    %get3A_661 = tpu.vector_load %arg7[%get3A_660] {strides = array<i32>} : memref<4096xi32, #tpu.memory_space<vmem>>, vector<16xi32>,
    %get3A_662 = arith.constant 2320 : index
    %get3A_663 = tpu.vector_load %arg7[%get3A_662] {strides = array<i32>} : memref<4096xi32, #tpu.memory_space<vmem>>, vector<16xi32>,
    %gather3A_664 = tpu.vector_load_idx %arg9[%get3A_661] : memref<2048xf32, #tpu.memory_space<vmem>>[vector<16xi32>], vector<16xf32>,
    %convert_element_type3A_665 = arith.fptosi %gather3A_664 : vector<16xf32> to vector<16xi32>
    %gather3A_666 = tpu.vector_load_idx %arg9[%get3A_663] : memref<2048xf32, #tpu.memory_space<vmem>>[vector<16xi32>], vector<16xf32>,
    %convert_element_type3A_667 = arith.fptosi %gather3A_666 : vector<16xf32> to vector<16xi32>
    %gather3A_668 = tpu.vector_load_idx %arg8[%convert_element_type3A_665] : memref<16xf32, #tpu.memory_space<vmem>>[vector<16xi32>], vector<16xf32>,
    %add3A_669 = arith.addf %add3A_657, %gather3A_668 : vector<16xf32>
    %gather3A_670 = tpu.vector_load_idx %arg8[%convert_element_type3A_667] : memref<16xf32, #tpu.memory_space<vmem>>[vector<16xi32>], vector<16xf32>,
    %add3A_671 = arith.addf %add3A_659, %gather3A_670 : vector<16xf32>
    %get3A_672 = arith.constant 2432 : index
    %get3A_673 = tpu.vector_load %arg7[%get3A_672] {strides = array<i32>} : memref<4096xi32, #tpu.memory_space<vmem>>, vector<16xi32>,
    %get3A_674 = arith.constant 2448 : index
    %get3A_675 = tpu.vector_load %arg7[%get3A_674] {strides = array<i32>} : memref<4096xi32, #tpu.memory_space<vmem>>, vector<16xi32>,
    %gather3A_676 = tpu.vector_load_idx %arg9[%get3A_673] : memref<2048xf32, #tpu.memory_space<vmem>>[vector<16xi32>], vector<16xf32>,
    %convert_element_type3A_677 = arith.fptosi %gather3A_676 : vector<16xf32> to vector<16xi32>
    %gather3A_678 = tpu.vector_load_idx %arg9[%get3A_675] : memref<2048xf32, #tpu.memory_space<vmem>>[vector<16xi32>], vector<16xf32>,
    %convert_element_type3A_679 = arith.fptosi %gather3A_678 : vector<16xf32> to vector<16xi32>
    %gather3A_680 = tpu.vector_load_idx %arg8[%convert_element_type3A_677] : memref<16xf32, #tpu.memory_space<vmem>>[vector<16xi32>], vector<16xf32>,
    %add3A_681 = arith.addf %add3A_669, %gather3A_680 : vector<16xf32>
    %gather3A_682 = tpu.vector_load_idx %arg8[%convert_element_type3A_679] : memref<16xf32, #tpu.memory_space<vmem>>[vector<16xi32>], vector<16xf32>,
    %add3A_683 = arith.addf %add3A_671, %gather3A_682 : vector<16xf32>
    %get3A_684 = arith.constant 2560 : index
    %get3A_685 = tpu.vector_load %arg7[%get3A_684] {strides = array<i32>} : memref<4096xi32, #tpu.memory_space<vmem>>, vector<16xi32>,
    %get3A_686 = arith.constant 2576 : index
    %get3A_687 = tpu.vector_load %arg7[%get3A_686] {strides = array<i32>} : memref<4096xi32, #tpu.memory_space<vmem>>, vector<16xi32>,
    %gather3A_688 = tpu.vector_load_idx %arg9[%get3A_685] : memref<2048xf32, #tpu.memory_space<vmem>>[vector<16xi32>], vector<16xf32>,
    %convert_element_type3A_689 = arith.fptosi %gather3A_688 : vector<16xf32> to vector<16xi32>
    %gather3A_690 = tpu.vector_load_idx %arg9[%get3A_687] : memref<2048xf32, #tpu.memory_space<vmem>>[vector<16xi32>], vector<16xf32>,
    %convert_element_type3A_691 = arith.fptosi %gather3A_690 : vector<16xf32> to vector<16xi32>
    %gather3A_692 = tpu.vector_load_idx %arg8[%convert_element_type3A_689] : memref<16xf32, #tpu.memory_space<vmem>>[vector<16xi32>], vector<16xf32>,
    %add3A_693 = arith.addf %add3A_681, %gather3A_692 : vector<16xf32>
    %gather3A_694 = tpu.vector_load_idx %arg8[%convert_element_type3A_691] : memref<16xf32, #tpu.memory_space<vmem>>[vector<16xi32>], vector<16xf32>,
    %add3A_695 = arith.addf %add3A_683, %gather3A_694 : vector<16xf32>
    %get3A_696 = arith.constant 2688 : index
    %get3A_697 = tpu.vector_load %arg7[%get3A_696] {strides = array<i32>} : memref<4096xi32, #tpu.memory_space<vmem>>, vector<16xi32>,
    %get3A_698 = arith.constant 2704 : index
    %get3A_699 = tpu.vector_load %arg7[%get3A_698] {strides = array<i32>} : memref<4096xi32, #tpu.memory_space<vmem>>, vector<16xi32>,
    %gather3A_700 = tpu.vector_load_idx %arg9[%get3A_697] : memref<2048xf32, #tpu.memory_space<vmem>>[vector<16xi32>], vector<16xf32>,
    %convert_element_type3A_701 = arith.fptosi %gather3A_700 : vector<16xf32> to vector<16xi32>
    %gather3A_702 = tpu.vector_load_idx %arg9[%get3A_699] : memref<2048xf32, #tpu.memory_space<vmem>>[vector<16xi32>], vector<16xf32>,
    %convert_element_type3A_703 = arith.fptosi %gather3A_702 : vector<16xf32> to vector<16xi32>
    %gather3A_704 = tpu.vector_load_idx %arg8[%convert_element_type3A_701] : memref<16xf32, #tpu.memory_space<vmem>>[vector<16xi32>], vector<16xf32>,
    %add3A_705 = arith.addf %add3A_693, %gather3A_704 : vector<16xf32>
    %gather3A_706 = tpu.vector_load_idx %arg8[%convert_element_type3A_703] : memref<16xf32, #tpu.memory_space<vmem>>[vector<16xi32>], vector<16xf32>,
    %add3A_707 = arith.addf %add3A_695, %gather3A_706 : vector<16xf32>
    %get3A_708 = arith.constant 2816 : index
    %get3A_709 = tpu.vector_load %arg7[%get3A_708] {strides = array<i32>} : memref<4096xi32, #tpu.memory_space<vmem>>, vector<16xi32>,
    %get3A_710 = arith.constant 2832 : index
    %get3A_711 = tpu.vector_load %arg7[%get3A_710] {strides = array<i32>} : memref<4096xi32, #tpu.memory_space<vmem>>, vector<16xi32>,
    %gather3A_712 = tpu.vector_load_idx %arg9[%get3A_709] : memref<2048xf32, #tpu.memory_space<vmem>>[vector<16xi32>], vector<16xf32>,
    %convert_element_type3A_713 = arith.fptosi %gather3A_712 : vector<16xf32> to vector<16xi32>
    %gather3A_714 = tpu.vector_load_idx %arg9[%get3A_711] : memref<2048xf32, #tpu.memory_space<vmem>>[vector<16xi32>], vector<16xf32>,
    %convert_element_type3A_715 = arith.fptosi %gather3A_714 : vector<16xf32> to vector<16xi32>
    %gather3A_716 = tpu.vector_load_idx %arg8[%convert_element_type3A_713] : memref<16xf32, #tpu.memory_space<vmem>>[vector<16xi32>], vector<16xf32>,
    %add3A_717 = arith.addf %add3A_705, %gather3A_716 : vector<16xf32>
    %gather3A_718 = tpu.vector_load_idx %arg8[%convert_element_type3A_715] : memref<16xf32, #tpu.memory_space<vmem>>[vector<16xi32>], vector<16xf32>,
    %add3A_719 = arith.addf %add3A_707, %gather3A_718 : vector<16xf32>
    %get3A_720 = arith.constant 2944 : index
    %get3A_721 = tpu.vector_load %arg7[%get3A_720] {strides = array<i32>} : memref<4096xi32, #tpu.memory_space<vmem>>, vector<16xi32>,
    %get3A_722 = arith.constant 2960 : index
    %get3A_723 = tpu.vector_load %arg7[%get3A_722] {strides = array<i32>} : memref<4096xi32, #tpu.memory_space<vmem>>, vector<16xi32>,
    %gather3A_724 = tpu.vector_load_idx %arg9[%get3A_721] : memref<2048xf32, #tpu.memory_space<vmem>>[vector<16xi32>], vector<16xf32>,
    %convert_element_type3A_725 = arith.fptosi %gather3A_724 : vector<16xf32> to vector<16xi32>
    %gather3A_726 = tpu.vector_load_idx %arg9[%get3A_723] : memref<2048xf32, #tpu.memory_space<vmem>>[vector<16xi32>], vector<16xf32>,
    %convert_element_type3A_727 = arith.fptosi %gather3A_726 : vector<16xf32> to vector<16xi32>
    %gather3A_728 = tpu.vector_load_idx %arg8[%convert_element_type3A_725] : memref<16xf32, #tpu.memory_space<vmem>>[vector<16xi32>], vector<16xf32>,
    %add3A_729 = arith.addf %add3A_717, %gather3A_728 : vector<16xf32>
    %gather3A_730 = tpu.vector_load_idx %arg8[%convert_element_type3A_727] : memref<16xf32, #tpu.memory_space<vmem>>[vector<16xi32>], vector<16xf32>,
    %add3A_731 = arith.addf %add3A_719, %gather3A_730 : vector<16xf32>
    %get3A_732 = arith.constant 3072 : index
    %get3A_733 = tpu.vector_load %arg7[%get3A_732] {strides = array<i32>} : memref<4096xi32, #tpu.memory_space<vmem>>, vector<16xi32>,
    %get3A_734 = arith.constant 3088 : index
    %get3A_735 = tpu.vector_load %arg7[%get3A_734] {strides = array<i32>} : memref<4096xi32, #tpu.memory_space<vmem>>, vector<16xi32>,
    %gather3A_736 = tpu.vector_load_idx %arg9[%get3A_733] : memref<2048xf32, #tpu.memory_space<vmem>>[vector<16xi32>], vector<16xf32>,
    %convert_element_type3A_737 = arith.fptosi %gather3A_736 : vector<16xf32> to vector<16xi32>
    %gather3A_738 = tpu.vector_load_idx %arg9[%get3A_735] : memref<2048xf32, #tpu.memory_space<vmem>>[vector<16xi32>], vector<16xf32>,
    %convert_element_type3A_739 = arith.fptosi %gather3A_738 : vector<16xf32> to vector<16xi32>
    %gather3A_740 = tpu.vector_load_idx %arg8[%convert_element_type3A_737] : memref<16xf32, #tpu.memory_space<vmem>>[vector<16xi32>], vector<16xf32>,
    %add3A_741 = arith.addf %add3A_729, %gather3A_740 : vector<16xf32>
    %gather3A_742 = tpu.vector_load_idx %arg8[%convert_element_type3A_739] : memref<16xf32, #tpu.memory_space<vmem>>[vector<16xi32>], vector<16xf32>,
    %add3A_743 = arith.addf %add3A_731, %gather3A_742 : vector<16xf32>
    %get3A_744 = arith.constant 3200 : index
    %get3A_745 = tpu.vector_load %arg7[%get3A_744] {strides = array<i32>} : memref<4096xi32, #tpu.memory_space<vmem>>, vector<16xi32>,
    %get3A_746 = arith.constant 3216 : index
    %get3A_747 = tpu.vector_load %arg7[%get3A_746] {strides = array<i32>} : memref<4096xi32, #tpu.memory_space<vmem>>, vector<16xi32>,
    %gather3A_748 = tpu.vector_load_idx %arg9[%get3A_745] : memref<2048xf32, #tpu.memory_space<vmem>>[vector<16xi32>], vector<16xf32>,
    %convert_element_type3A_749 = arith.fptosi %gather3A_748 : vector<16xf32> to vector<16xi32>
    %gather3A_750 = tpu.vector_load_idx %arg9[%get3A_747] : memref<2048xf32, #tpu.memory_space<vmem>>[vector<16xi32>], vector<16xf32>,
    %convert_element_type3A_751 = arith.fptosi %gather3A_750 : vector<16xf32> to vector<16xi32>
    %gather3A_752 = tpu.vector_load_idx %arg8[%convert_element_type3A_749] : memref<16xf32, #tpu.memory_space<vmem>>[vector<16xi32>], vector<16xf32>,
    %add3A_753 = arith.addf %add3A_741, %gather3A_752 : vector<16xf32>
    %gather3A_754 = tpu.vector_load_idx %arg8[%convert_element_type3A_751] : memref<16xf32, #tpu.memory_space<vmem>>[vector<16xi32>], vector<16xf32>,
    %add3A_755 = arith.addf %add3A_743, %gather3A_754 : vector<16xf32>
    %get3A_756 = arith.constant 3328 : index
    %get3A_757 = tpu.vector_load %arg7[%get3A_756] {strides = array<i32>} : memref<4096xi32, #tpu.memory_space<vmem>>, vector<16xi32>,
    %get3A_758 = arith.constant 3344 : index
    %get3A_759 = tpu.vector_load %arg7[%get3A_758] {strides = array<i32>} : memref<4096xi32, #tpu.memory_space<vmem>>, vector<16xi32>,
    %gather3A_760 = tpu.vector_load_idx %arg9[%get3A_757] : memref<2048xf32, #tpu.memory_space<vmem>>[vector<16xi32>], vector<16xf32>,
    %convert_element_type3A_761 = arith.fptosi %gather3A_760 : vector<16xf32> to vector<16xi32>
    %gather3A_762 = tpu.vector_load_idx %arg9[%get3A_759] : memref<2048xf32, #tpu.memory_space<vmem>>[vector<16xi32>], vector<16xf32>,
    %convert_element_type3A_763 = arith.fptosi %gather3A_762 : vector<16xf32> to vector<16xi32>
    %gather3A_764 = tpu.vector_load_idx %arg8[%convert_element_type3A_761] : memref<16xf32, #tpu.memory_space<vmem>>[vector<16xi32>], vector<16xf32>,
    %add3A_765 = arith.addf %add3A_753, %gather3A_764 : vector<16xf32>
    %gather3A_766 = tpu.vector_load_idx %arg8[%convert_element_type3A_763] : memref<16xf32, #tpu.memory_space<vmem>>[vector<16xi32>], vector<16xf32>,
    %add3A_767 = arith.addf %add3A_755, %gather3A_766 : vector<16xf32>
    %get3A_768 = arith.constant 3456 : index
    %get3A_769 = tpu.vector_load %arg7[%get3A_768] {strides = array<i32>} : memref<4096xi32, #tpu.memory_space<vmem>>, vector<16xi32>,
    %get3A_770 = arith.constant 3472 : index
    %get3A_771 = tpu.vector_load %arg7[%get3A_770] {strides = array<i32>} : memref<4096xi32, #tpu.memory_space<vmem>>, vector<16xi32>,
    %gather3A_772 = tpu.vector_load_idx %arg9[%get3A_769] : memref<2048xf32, #tpu.memory_space<vmem>>[vector<16xi32>], vector<16xf32>,
    %convert_element_type3A_773 = arith.fptosi %gather3A_772 : vector<16xf32> to vector<16xi32>
    %gather3A_774 = tpu.vector_load_idx %arg9[%get3A_771] : memref<2048xf32, #tpu.memory_space<vmem>>[vector<16xi32>], vector<16xf32>,
    %convert_element_type3A_775 = arith.fptosi %gather3A_774 : vector<16xf32> to vector<16xi32>
    %gather3A_776 = tpu.vector_load_idx %arg8[%convert_element_type3A_773] : memref<16xf32, #tpu.memory_space<vmem>>[vector<16xi32>], vector<16xf32>,
    %add3A_777 = arith.addf %add3A_765, %gather3A_776 : vector<16xf32>
    %gather3A_778 = tpu.vector_load_idx %arg8[%convert_element_type3A_775] : memref<16xf32, #tpu.memory_space<vmem>>[vector<16xi32>], vector<16xf32>,
    %add3A_779 = arith.addf %add3A_767, %gather3A_778 : vector<16xf32>
    %get3A_780 = arith.constant 3584 : index
    %get3A_781 = tpu.vector_load %arg7[%get3A_780] {strides = array<i32>} : memref<4096xi32, #tpu.memory_space<vmem>>, vector<16xi32>,
    %get3A_782 = arith.constant 3600 : index
    %get3A_783 = tpu.vector_load %arg7[%get3A_782] {strides = array<i32>} : memref<4096xi32, #tpu.memory_space<vmem>>, vector<16xi32>,
    %gather3A_784 = tpu.vector_load_idx %arg9[%get3A_781] : memref<2048xf32, #tpu.memory_space<vmem>>[vector<16xi32>], vector<16xf32>,
    %convert_element_type3A_785 = arith.fptosi %gather3A_784 : vector<16xf32> to vector<16xi32>
    %gather3A_786 = tpu.vector_load_idx %arg9[%get3A_783] : memref<2048xf32, #tpu.memory_space<vmem>>[vector<16xi32>], vector<16xf32>,
    %convert_element_type3A_787 = arith.fptosi %gather3A_786 : vector<16xf32> to vector<16xi32>
    %gather3A_788 = tpu.vector_load_idx %arg8[%convert_element_type3A_785] : memref<16xf32, #tpu.memory_space<vmem>>[vector<16xi32>], vector<16xf32>,
    %add3A_789 = arith.addf %add3A_777, %gather3A_788 : vector<16xf32>
    %gather3A_790 = tpu.vector_load_idx %arg8[%convert_element_type3A_787] : memref<16xf32, #tpu.memory_space<vmem>>[vector<16xi32>], vector<16xf32>,
    %add3A_791 = arith.addf %add3A_779, %gather3A_790 : vector<16xf32>
    %get3A_792 = arith.constant 3712 : index
    %get3A_793 = tpu.vector_load %arg7[%get3A_792] {strides = array<i32>} : memref<4096xi32, #tpu.memory_space<vmem>>, vector<16xi32>,
    %get3A_794 = arith.constant 3728 : index
    %get3A_795 = tpu.vector_load %arg7[%get3A_794] {strides = array<i32>} : memref<4096xi32, #tpu.memory_space<vmem>>, vector<16xi32>,
    %gather3A_796 = tpu.vector_load_idx %arg9[%get3A_793] : memref<2048xf32, #tpu.memory_space<vmem>>[vector<16xi32>], vector<16xf32>,
    %convert_element_type3A_797 = arith.fptosi %gather3A_796 : vector<16xf32> to vector<16xi32>
    %gather3A_798 = tpu.vector_load_idx %arg9[%get3A_795] : memref<2048xf32, #tpu.memory_space<vmem>>[vector<16xi32>], vector<16xf32>,
    %convert_element_type3A_799 = arith.fptosi %gather3A_798 : vector<16xf32> to vector<16xi32>
    %gather3A_800 = tpu.vector_load_idx %arg8[%convert_element_type3A_797] : memref<16xf32, #tpu.memory_space<vmem>>[vector<16xi32>], vector<16xf32>,
    %add3A_801 = arith.addf %add3A_789, %gather3A_800 : vector<16xf32>
    %gather3A_802 = tpu.vector_load_idx %arg8[%convert_element_type3A_799] : memref<16xf32, #tpu.memory_space<vmem>>[vector<16xi32>], vector<16xf32>,
    %add3A_803 = arith.addf %add3A_791, %gather3A_802 : vector<16xf32>
    %get3A_804 = arith.constant 3840 : index
    %get3A_805 = tpu.vector_load %arg7[%get3A_804] {strides = array<i32>} : memref<4096xi32, #tpu.memory_space<vmem>>, vector<16xi32>,
    %get3A_806 = arith.constant 3856 : index
    %get3A_807 = tpu.vector_load %arg7[%get3A_806] {strides = array<i32>} : memref<4096xi32, #tpu.memory_space<vmem>>, vector<16xi32>,
    %gather3A_808 = tpu.vector_load_idx %arg9[%get3A_805] : memref<2048xf32, #tpu.memory_space<vmem>>[vector<16xi32>], vector<16xf32>,
    %convert_element_type3A_809 = arith.fptosi %gather3A_808 : vector<16xf32> to vector<16xi32>
    %gather3A_810 = tpu.vector_load_idx %arg9[%get3A_807] : memref<2048xf32, #tpu.memory_space<vmem>>[vector<16xi32>], vector<16xf32>,
    %convert_element_type3A_811 = arith.fptosi %gather3A_810 : vector<16xf32> to vector<16xi32>
    %gather3A_812 = tpu.vector_load_idx %arg8[%convert_element_type3A_809] : memref<16xf32, #tpu.memory_space<vmem>>[vector<16xi32>], vector<16xf32>,
    %add3A_813 = arith.addf %add3A_801, %gather3A_812 : vector<16xf32>
    %gather3A_814 = tpu.vector_load_idx %arg8[%convert_element_type3A_811] : memref<16xf32, #tpu.memory_space<vmem>>[vector<16xi32>], vector<16xf32>,
    %add3A_815 = arith.addf %add3A_803, %gather3A_814 : vector<16xf32>
    %get3A_816 = arith.constant 3968 : index
    %get3A_817 = tpu.vector_load %arg7[%get3A_816] {strides = array<i32>} : memref<4096xi32, #tpu.memory_space<vmem>>, vector<16xi32>,
    %get3A_818 = arith.constant 3984 : index
    %get3A_819 = tpu.vector_load %arg7[%get3A_818] {strides = array<i32>} : memref<4096xi32, #tpu.memory_space<vmem>>, vector<16xi32>,
    %gather3A_820 = tpu.vector_load_idx %arg9[%get3A_817] : memref<2048xf32, #tpu.memory_space<vmem>>[vector<16xi32>], vector<16xf32>,
    %convert_element_type3A_821 = arith.fptosi %gather3A_820 : vector<16xf32> to vector<16xi32>
    %gather3A_822 = tpu.vector_load_idx %arg9[%get3A_819] : memref<2048xf32, #tpu.memory_space<vmem>>[vector<16xi32>], vector<16xf32>,
    %convert_element_type3A_823 = arith.fptosi %gather3A_822 : vector<16xf32> to vector<16xi32>
    %gather3A_824 = tpu.vector_load_idx %arg8[%convert_element_type3A_821] : memref<16xf32, #tpu.memory_space<vmem>>[vector<16xi32>], vector<16xf32>,
    %add3A_825 = arith.addf %add3A_813, %gather3A_824 : vector<16xf32>
    %gather3A_826 = tpu.vector_load_idx %arg8[%convert_element_type3A_823] : memref<16xf32, #tpu.memory_space<vmem>>[vector<16xi32>], vector<16xf32>,
    %add3A_827 = arith.addf %add3A_815, %gather3A_826 : vector<16xf32>
    %swap3A_828 = arith.constant 0 : index
    %swap3A_829 = tpu.vector_load %arg10[%swap3A_828] {strides = array<i32>} : memref<32xf32, #tpu.memory_space<vmem>>, vector<16xf32>,
    tpu.vector_store %arg10[%swap3A_828], %add3A_825 {strides = array<i32>} : memref<32xf32, #tpu.memory_space<vmem>>, vector<16xf32>,
    %swap3A_830 = arith.constant 16 : index
    %swap3A_831 = tpu.vector_load %arg10[%swap3A_830] {strides = array<i32>} : memref<32xf32, #tpu.memory_space<vmem>>, vector<16xf32>,
    tpu.vector_store %arg10[%swap3A_830], %add3A_827 {strides = array<i32>} : memref<32xf32, #tpu.memory_space<vmem>>, vector<16xf32>,
    "tpu.region"() ({
      %run_scoped3A = tpu.sem_alloc : memref<!tpu.dma_semaphore, #tpu.memory_space<semaphore_mem>>
      %dma_start3A_832 = arith.constant 0 : i32
      %dma_start3A_833 = tpu.memref_slice %arg5[%add3A, %dma_start3A_832] : memref<32x32xf32, #tpu.memory_space<hbm>> -> memref<1x32xf32, #tpu.memory_space<hbm>>
      %dma_start3A_834 = tpu.memref_squeeze %dma_start3A_833 : memref<1x32xf32, #tpu.memory_space<hbm>> -> memref<32xf32, #tpu.memory_space<hbm>>
      %dma_start3A_835 = arith.constant 0 : i32
      %dma_start3A_836 = tpu.memref_slice %arg5[%add3A, %dma_start3A_835] : memref<32x32xf32, #tpu.memory_space<hbm>> -> memref<1x32xf32, #tpu.memory_space<hbm>>
      %dma_start3A_837 = tpu.memref_squeeze %dma_start3A_836 : memref<1x32xf32, #tpu.memory_space<hbm>> -> memref<32xf32, #tpu.memory_space<hbm>>
      tpu.enqueue_dma source(%arg10 : memref<32xf32, #tpu.memory_space<vmem>>) target(%dma_start3A_837 : memref<32xf32, #tpu.memory_space<hbm>>) target_semaphore(%run_scoped3A : memref<!tpu.dma_semaphore, #tpu.memory_space<semaphore_mem>>)
      %dma_wait3A_838 = arith.constant 0 : i32
      %dma_wait3A_839 = tpu.memref_slice %arg5[%add3A, %dma_wait3A_838] : memref<32x32xf32, #tpu.memory_space<hbm>> -> memref<1x32xf32, #tpu.memory_space<hbm>>
      %dma_wait3A_840 = tpu.memref_squeeze %dma_wait3A_839 : memref<1x32xf32, #tpu.memory_space<hbm>> -> memref<32xf32, #tpu.memory_space<hbm>>
      %dma_wait3A_841 = arith.constant 0 : i32
      %dma_wait3A_842 = tpu.memref_slice %arg5[%add3A, %dma_wait3A_841] : memref<32x32xf32, #tpu.memory_space<hbm>> -> memref<1x32xf32, #tpu.memory_space<hbm>>
      %dma_wait3A_843 = tpu.memref_squeeze %dma_wait3A_842 : memref<1x32xf32, #tpu.memory_space<hbm>> -> memref<32xf32, #tpu.memory_space<hbm>>
      tpu.wait_dma2 semaphore(%run_scoped3A : memref<!tpu.dma_semaphore, #tpu.memory_space<semaphore_mem>>) src(%arg10 : memref<32xf32, #tpu.memory_space<vmem>>) dst(%dma_wait3A_843 : memref<32xf32, #tpu.memory_space<hbm>>)
      tpu.yield
    }) : () -> ()
    return
  }
}

module attributes {stable_mosaic.version = 14 : i64} {
  func.func @_tc_index_body(%arg0: i32, %arg1: memref<32x128x64xf32, #tpu.memory_space<vmem>>, %arg2: memref<128x8x64xf32, #tpu.memory_space<vmem>>, %arg3: memref<128x8x64xf32, #tpu.memory_space<vmem>>, %arg4: memref<8x128xi32, #tpu.memory_space<vmem>>, %arg5: memref<128x128xi32, #tpu.memory_space<vmem>>) attributes {dimension_semantics = [#tpu.dimension_semantics<arbitrary>], iteration_bounds = array<i64: 8>, scalar_prefetch = 0 : i64, scratch_operands = 0 : i64, tpu.core_type = #tpu.core_type<tc>, window_params = [{transform_indices = @transform_0, window_bounds = array<i64: 32, 128, 64>}, {transform_indices = @transform_1, window_bounds = array<i64: 128, 8, 64>}, {transform_indices = @transform_2, window_bounds = array<i64: 128, 8, 64>}, {transform_indices = @transform_3, window_bounds = array<i64: 8, 128>}, {transform_indices = @transform_4, window_bounds = array<i64: 128, 128>}]} {
    %get3A = arith.constant 0 : index
    %get3A_0 = arith.constant 0 : index
    %get3A_1 = arith.constant 0 : index
    %get3A_2 = vector.load %arg2[%get3A, %get3A_0, %get3A_1] : memref<128x8x64xf32, #tpu.memory_space<vmem>>, vector<128x8x64xf32>
    %iota3A = tpu.iota {dimensions = array<i32: 2>} : vector<128x8x64xi32>
    %reduce_max3A = arith.constant dense<0xFF800000> : vector<128x8xf32>
    %reduce_max3A_3 = vector.multi_reduction <maximumf>, %get3A_2, %reduce_max3A [2] : vector<128x8x64xf32> to vector<128x8xf32>
    %broadcast_in_dim3A = vector.shape_cast %reduce_max3A_3 : vector<128x8xf32> to vector<128x8x1xf32>
    %eq3A = vector.broadcast %broadcast_in_dim3A : vector<128x8x1xf32> to vector<128x8x64xf32>
    %eq3A_4 = arith.cmpf oeq, %get3A_2, %eq3A : vector<128x8x64xf32>
    %jit3A = arith.constant 64 : i32
    %broadcast_in_dim3A_5 = vector.broadcast %jit3A : i32 to vector<128x8x64xi32>
    %select_n3A = arith.select %eq3A_4, %iota3A, %broadcast_in_dim3A_5 : vector<128x8x64xi1>, vector<128x8x64xi32>
    %reduce_min3A = arith.constant dense<2147483647> : vector<128x8xi32>
    %reduce_min3A_6 = vector.multi_reduction <minsi>, %select_n3A, %reduce_min3A [2] : vector<128x8x64xi32> to vector<128x8xi32>
    %get3A_7 = arith.constant 0 : index
    %get3A_8 = arith.constant 0 : index
    %get3A_9 = arith.constant 0 : index
    %get3A_10 = vector.load %arg3[%get3A_7, %get3A_8, %get3A_9] : memref<128x8x64xf32, #tpu.memory_space<vmem>>, vector<128x8x64xf32>
    %convert_element_type3A = arith.sitofp %iota3A : vector<128x8x64xi32> to vector<128x8x64xf32>
    %mul3A = arith.mulf %get3A_10, %convert_element_type3A : vector<128x8x64xf32>
    %reduce_sum3A = arith.constant dense<0.000000e+00> : vector<128x8xf32>
    %reduce_sum3A_11 = vector.multi_reduction <add>, %mul3A, %reduce_sum3A [2] : vector<128x8x64xf32> to vector<128x8xf32>
    %convert_element_type3A_12 = arith.fptosi %reduce_sum3A_11 : vector<128x8xf32> to vector<128x8xi32>
    %sub3A = arith.subi %convert_element_type3A_12, %reduce_min3A_6 : vector<128x8xi32>
    %add3A = arith.constant 64 : i32
    %add3A_13 = vector.broadcast %add3A : i32 to vector<128x8xi32>
    %add3A_14 = arith.addi %sub3A, %add3A_13 : vector<128x8xi32>
    %and3A = arith.constant 63 : i32
    %and3A_15 = vector.broadcast %and3A : i32 to vector<128x8xi32>
    %and3A_16 = arith.andi %add3A_14, %and3A_15 : vector<128x8xi32>
    %iota3A_17 = tpu.iota {dimensions = array<i32: 0>} : vector<128x8xi32>
    %jit3A_18 = arith.constant 32 : i32
    %eq3A_19 = arith.constant 0 : i32
    %eq3A_20 = arith.cmpi eq, %jit3A_18, %eq3A_19 : i32
    %jit3A_21 = arith.constant 1 : i32
    %select_n3A_22 = arith.select %eq3A_20, %jit3A_21, %jit3A_18 : i32
    %rem3A = vector.broadcast %select_n3A_22 : i32 to vector<128x8xi32>
    %rem3A_23 = arith.remsi %iota3A_17, %rem3A : vector<128x8xi32>
    %ne3A = arith.constant 0 : i32
    %ne3A_24 = vector.broadcast %ne3A : i32 to vector<128x8xi32>
    %ne3A_25 = arith.cmpi ne, %rem3A_23, %ne3A_24 : vector<128x8xi32>
    %lt3A = arith.constant 0 : i32
    %lt3A_26 = vector.broadcast %lt3A : i32 to vector<128x8xi32>
    %lt3A_27 = arith.cmpi slt, %rem3A_23, %lt3A_26 : vector<128x8xi32>
    %lt3A_28 = arith.constant 0 : i32
    %lt3A_29 = arith.cmpi slt, %select_n3A_22, %lt3A_28 : i32
    %ne3A_30 = vector.broadcast %lt3A_29 : i1 to vector<128x8xi1>
    %ne3A_31 = vector.broadcast %ne3A_30 : vector<128x8xi1> to vector<128x8xi1>
    %ne3A_32 = arith.xori %lt3A_27, %ne3A_31 : vector<128x8xi1>
    %and3A_33 = arith.andi %ne3A_32, %ne3A_25 : vector<128x8xi1>
    %add3A_34 = vector.broadcast %select_n3A_22 : i32 to vector<128x8xi32>
    %add3A_35 = arith.addi %rem3A_23, %add3A_34 : vector<128x8xi32>
    %select_n3A_36 = arith.select %and3A_33, %add3A_35, %rem3A_23 : vector<128x8xi1>, vector<128x8xi32>
    %shift_left3A = arith.constant 6 : i32
    %shift_left3A_37 = vector.broadcast %shift_left3A : i32 to vector<128x8xi32>
    %shift_left3A_38 = arith.shli %select_n3A_36, %shift_left3A_37 : vector<128x8xi32>
    %add3A_39 = arith.addi %and3A_16, %shift_left3A_38 : vector<128x8xi32>
    %transpose3A = tpu.transpose %add3A_39, [1, 0] : vector<128x8xi32> -> vector<8x128xi32>
    %swap3A = arith.constant 0 : index
    %swap3A_40 = arith.constant 0 : index
    %swap3A_41 = vector.load %arg4[%swap3A, %swap3A_40] : memref<8x128xi32, #tpu.memory_space<vmem>>, vector<8x128xi32>
    tpu.vector_store %arg4[%swap3A, %swap3A_40], %transpose3A {strides = array<i32>} : memref<8x128xi32, #tpu.memory_space<vmem>>, vector<8x128xi32>,
    %get3A_42 = arith.constant 0 : index
    %get3A_43 = arith.constant 0 : index
    %get3A_44 = arith.constant 0 : index
    %get3A_45 = vector.load %arg1[%get3A_42, %get3A_43, %get3A_44] : memref<32x128x64xf32, #tpu.memory_space<vmem>>, vector<32x128x64xf32>
    %iota3A_46 = tpu.iota {dimensions = array<i32: 2>} : vector<32x128x64xi32>
    %convert_element_type3A_47 = arith.sitofp %iota3A_46 : vector<32x128x64xi32> to vector<32x128x64xf32>
    %mul3A_48 = arith.mulf %get3A_45, %convert_element_type3A_47 : vector<32x128x64xf32>
    %reduce_sum3A_49 = arith.constant dense<0.000000e+00> : vector<32x128xf32>
    %reduce_sum3A_50 = vector.multi_reduction <add>, %mul3A_48, %reduce_sum3A_49 [2] : vector<32x128x64xf32> to vector<32x128xf32>
    %convert_element_type3A_51 = arith.fptosi %reduce_sum3A_50 : vector<32x128xf32> to vector<32x128xi32>
    %iota3A_52 = tpu.iota {dimensions = array<i32: 0>} : vector<128x32xi32>
    %jit3A_53 = arith.constant 32 : i32
    %eq3A_54 = arith.constant 0 : i32
    %eq3A_55 = arith.cmpi eq, %jit3A_53, %eq3A_54 : i32
    %jit3A_56 = arith.constant 1 : i32
    %select_n3A_57 = arith.select %eq3A_55, %jit3A_56, %jit3A_53 : i32
    %rem3A_58 = vector.broadcast %select_n3A_57 : i32 to vector<128x32xi32>
    %rem3A_59 = arith.remsi %iota3A_52, %rem3A_58 : vector<128x32xi32>
    %ne3A_60 = arith.constant 0 : i32
    %ne3A_61 = vector.broadcast %ne3A_60 : i32 to vector<128x32xi32>
    %ne3A_62 = arith.cmpi ne, %rem3A_59, %ne3A_61 : vector<128x32xi32>
    %lt3A_63 = arith.constant 0 : i32
    %lt3A_64 = vector.broadcast %lt3A_63 : i32 to vector<128x32xi32>
    %lt3A_65 = arith.cmpi slt, %rem3A_59, %lt3A_64 : vector<128x32xi32>
    %lt3A_66 = arith.constant 0 : i32
    %lt3A_67 = arith.cmpi slt, %select_n3A_57, %lt3A_66 : i32
    %ne3A_68 = vector.broadcast %lt3A_67 : i1 to vector<128x32xi1>
    %ne3A_69 = vector.broadcast %ne3A_68 : vector<128x32xi1> to vector<128x32xi1>
    %ne3A_70 = arith.xori %lt3A_65, %ne3A_69 : vector<128x32xi1>
    %and3A_71 = arith.andi %ne3A_70, %ne3A_62 : vector<128x32xi1>
    %add3A_72 = vector.broadcast %select_n3A_57 : i32 to vector<128x32xi32>
    %add3A_73 = arith.addi %rem3A_59, %add3A_72 : vector<128x32xi32>
    %select_n3A_74 = arith.select %and3A_71, %add3A_73, %rem3A_59 : vector<128x32xi1>, vector<128x32xi32>
    %mul3A_75 = arith.constant 64 : i32
    %mul3A_76 = vector.broadcast %mul3A_75 : i32 to vector<128x32xi32>
    %mul3A_77 = arith.muli %select_n3A_74, %mul3A_76 : vector<128x32xi32>
    %transpose3A_78 = tpu.transpose %convert_element_type3A_51, [1, 0] : vector<32x128xi32> -> vector<128x32xi32>
    %add3A_79 = arith.addi %transpose3A_78, %mul3A_77 : vector<128x32xi32>
    %swap3A_80 = arith.constant 0 : index
    %swap3A_81 = arith.constant 0 : index
    %swap3A_82 = vector.load %arg5[%swap3A_80, %swap3A_81] : memref<128x128xi32, #tpu.memory_space<vmem>>, vector<128x32xi32>
    tpu.vector_store %arg5[%swap3A_80, %swap3A_81], %add3A_79 {strides = array<i32>} : memref<128x128xi32, #tpu.memory_space<vmem>>, vector<128x32xi32>,
    return
  }
  func.func @transform_0(%arg0: i32) -> (i32, i32, i32) {
    %c0_i32 = arith.constant 0 : i32
    %c0_i32_0 = arith.constant 0 : i32
    %c0_i32_1 = arith.constant 0 : i32
    return %c0_i32, %arg0, %c0_i32_0 : i32, i32, i32
  }
  func.func @transform_1(%arg0: i32) -> (i32, i32, i32) {
    %c0_i32 = arith.constant 0 : i32
    %c0_i32_0 = arith.constant 0 : i32
    %c0_i32_1 = arith.constant 0 : i32
    return %arg0, %c0_i32, %c0_i32_0 : i32, i32, i32
  }
  func.func @transform_2(%arg0: i32) -> (i32, i32, i32) {
    %c0_i32 = arith.constant 0 : i32
    %c0_i32_0 = arith.constant 0 : i32
    %c0_i32_1 = arith.constant 0 : i32
    return %arg0, %c0_i32, %c0_i32_0 : i32, i32, i32
  }
  func.func @transform_3(%arg0: i32) -> (i32, i32) {
    %c0_i32 = arith.constant 0 : i32
    %c0_i32_0 = arith.constant 0 : i32
    return %c0_i32, %arg0 : i32, i32
  }
  func.func @transform_4(%arg0: i32) -> (i32, i32) {
    %c0_i32 = arith.constant 0 : i32
    %c0_i32_0 = arith.constant 0 : i32
    return %arg0, %c0_i32 : i32, i32
  }
}

</mosaic_0001>

<sc_bundles>
// kernel: kernel.4.cloned.1.call-start
scs
__scs_entry_jumppad:
0x0: {  	(pc) =	sbr.rel $0x88, $3  }
0x1: {  	(tag) =	ssettag $0x0;
	lr =	simm.s32 $0x1  }
0x2: {  	[smem:$0x3F9E] =	sst lr;
	_ =	strace $0xD0000000  }
0x3: {  	_ = 	snop  }
0x4: {  	_ = 	snop  }
0x5: {  	_ = 	snop  }
0x6: {  	_ = 	snop  }
0x7: {  	_ = 	snop  }
__scs_overlays_trampoline_lowered:
0x8: {  	[smem:$0x3FAD] =	sst s0  }
0x9: {  	[smem:$0x3FAE] =	sst s1  }
0xa: {  	[smem:$0x3FAF] =	sst s2  }
0xb: {  	[smem:$0x3FB0] =	sst s3  }
0xc: {  	[smem:$0x3FB1] =	sst s4  }
0xd: {  	[smem:$0x3FB2] =	sst s5  }
0xe: {  	[smem:$0x3FB3] =	sst s6  }
0xf: {  	[smem:$0x3FB4] =	sst s7  }
0x10: {  	[smem:$0x3FB5] =	sst s8  }
0x11: {  	[smem:$0x3FB6] =	sst s9;
	s0 =	simm.s32 @!p0 $0x0  }
0x12: {  	s1 =	sld [smem:$0x3F9C];
	s0 =	simm.s32 @p0 $0x1  }
0x13: {  	[smem:$0x3FB7] =	sst s0;
	s0 =	simm.s32 @!p1 $0x0  }
0x14: {  	s2 =	sld [smem:$0x3F9B];
	s0 =	simm.s32 @p1 $0x1  }
0x15: {  	[smem:$0x3FB8] =	sst s0;
	s0 =	simm.s32 @!p2 $0x0  }
0x16: {  	s3 =	sld [smem:$0x3FDB];
	s0 =	simm.s32 @p2 $0x1  }
0x17: {  	s4 =	simm.s32 $0x1BF5;
	[smem:$0x3FBA] =	sst s0  }
0x18: {  	s0 =	sld [smem:$0x3F9D];
	_ =	swait.ge [sflag:s4], $0x0  }
0x19: {  	s7 =	sld [smem:$0x3F9E]  }
0x1a: {  	s8 =	sadd.s32 $0xFFFFE003, lr  }
0x1b: {  	s9 =	sadd.s32 $0xFFFFFEF7, lr;
	s5 =	simm.s32 $0xFFFFFFFF;
	p2 =	slt.u32 s8, $0xFFFFF086  }
0x1c: {  	p1 =	slt.u32 s9, $0xF7A;
	s5 =	simm.s32 @!p2 $0x0  }
0x1d: {  	s5 =	simm.s32 @p1 $0x1;
	p0 =	seq.s32 s7, s2  }
0x1e: {  	s7 =	smul.u32 @!p0 $0xF7A, s2;
	p2 =	seq.s32 @!p0 s5, $0x0  }
0x1f: {  	s9 =	smul.u32 $0xF7A, s1;
	s8 =	simm.s32 @!p0 $0x1BF5;
	p2 =	por !p2, p0  }
0x20: {  	[sflag:s8] =	ssyncset.s32 @!p0 $0xFFFFF086;
	s6 =	sadd.s32 @!p0 s3, s7;
	s7 =	simm.s32 @!p0 $0x108  }
0x21: {  	s3 =	sadd.s32 s3, s9;
	s6 =	sadd.s32 @!p0 $0x88, s6;
	s7 =	simm.s32 @p2 $0x1082  }
0x22: {  	[simem:s7], [sflag:s8] =	dma.local @!p0 [hbm:s6], $0xF7A  }
0x23: {  	s9 =	sor.u32 $0xD0000000, s2;
	s6 =	simm.s32 $0x108;
	_ =	swait.ge @!p0 [sflag:s8], $0x0  }
0x24: {  	s3 =	sadd.s32 $0x88, s3;
	s6 =	simm.s32 @!p1 $0x1082;
	[sflag:s4] =	ssyncset.s32 $0xFFFFF086  }
0x25: {  	[simem:s6], [sflag:s4] =	dma.local [hbm:s3], $0xF7A  }
0x26: {  	[smem:$0x3F9E] =	sst s1;
	(tag) =	ssettag s2;
	_ =	strace s9  }
0x27: {  	s1 =	sld [smem:$0x3FAE]  }
0x28: {  	s2 =	sld [smem:$0x3FAF]  }
0x29: {  	s4 =	sld [smem:$0x3FB1]  }
0x2a: {  	p0 =	seq.s32 s5, $0x0;
	s5 =	sld [smem:$0x3FB2]  }
0x2b: {  	s6 =	sld [smem:$0x3FB3]  }
0x2c: {  	s7 =	sld [smem:$0x3FB4]  }
0x2d: {  	s3 =	simm.s32 $0x108;
	s8 =	sld [smem:$0x3FB5]  }
0x2e: {  	s3 =	simm.s32 @!p0 $0x1082;
	s9 =	sld [smem:$0x3FB6]  }
0x2f: {  	lr =	sadd.s32 s0, s3;
	s0 =	sld [smem:$0x3FAD]  }
0x30: {  	s3 =	sld [smem:$0x3FB0]  }
0x31: {  	[smem:$0x3FB9] =	sst s10  }
0x32: {  	s10 =	sld [smem:$0x3FB7];
	_ =	sdelay $0x3  }
0x33: {  	p0 =	seq.s32 s10, $0x1;
	s10 =	sld [smem:$0x3FB9];
	_ =	sdelay $0x3  }
0x34: {  	[smem:$0x3FB9] =	sst s10  }
0x35: {  	s10 =	sld [smem:$0x3FB8];
	_ =	sdelay $0x3  }
0x36: {  	p1 =	seq.s32 s10, $0x1;
	s10 =	sld [smem:$0x3FB9];
	_ =	sdelay $0x3  }
0x37: {  	[smem:$0x3FB9] =	sst s10  }
0x38: {  	s10 =	sld [smem:$0x3FBA]  }
0x39: {  	_ = 	snop;
	(pc) =	sbr.ind lr, $3  }
0x3a: {  	_ = 	snop  }
0x3b: {  	_ = 	snop  }
0x3c: {  	p2 =	seq.s32 s10, $0x1;
	s10 =	sld [smem:$0x3FB9]  }
0x3d: {  	_ =	shalt  }
0x3e: {  	_ =	shalt  }
0x3f: {  	_ =	shalt  }
0x40: {  	_ =	shalt  }
0x41: {  	_ =	shalt  }
0x42: {  	_ =	shalt  }
0x43: {  	_ =	shalt  }
0x44: {  	_ =	shalt  }
0x45: {  	_ =	shalt  }
0x46: {  	_ =	shalt  }
0x47: {  	_ =	shalt  }
0x48: {  	_ =	shalt  }
0x49: {  	_ =	shalt  }
0x4a: {  	_ =	shalt  }
0x4b: {  	_ =	shalt  }
0x4c: {  	_ =	shalt  }
0x4d: {  	_ =	shalt  }
0x4e: {  	_ =	shalt  }
0x4f: {  	_ =	shalt  }
0x50: {  	_ =	shalt  }
0x51: {  	_ =	shalt  }
0x52: {  	_ =	shalt  }
0x53: {  	_ =	shalt  }
0x54: {  	_ =	shalt  }
0x55: {  	_ =	shalt  }
0x56: {  	_ =	shalt  }
0x57: {  	_ =	shalt  }
0x58: {  	_ =	shalt  }
0x59: {  	_ =	shalt  }
0x5a: {  	_ =	shalt  }
0x5b: {  	_ =	shalt  }
0x5c: {  	_ =	shalt  }
0x5d: {  	_ =	shalt  }
0x5e: {  	_ =	shalt  }
0x5f: {  	_ =	shalt  }
0x60: {  	_ =	shalt  }
0x61: {  	_ =	shalt  }
0x62: {  	_ =	shalt  }
0x63: {  	_ =	shalt  }
0x64: {  	_ =	shalt  }
0x65: {  	_ =	shalt  }
0x66: {  	_ =	shalt  }
0x67: {  	_ =	shalt  }
0x68: {  	_ =	shalt  }
0x69: {  	_ =	shalt  }
0x6a: {  	_ =	shalt  }
0x6b: {  	_ =	shalt  }
0x6c: {  	_ =	shalt  }
0x6d: {  	_ =	shalt  }
0x6e: {  	_ =	shalt  }
0x6f: {  	_ =	shalt  }
0x70: {  	_ =	shalt  }
0x71: {  	_ =	shalt  }
0x72: {  	_ =	shalt  }
0x73: {  	_ =	shalt  }
0x74: {  	_ =	shalt  }
0x75: {  	_ =	shalt  }
0x76: {  	_ =	shalt  }
0x77: {  	_ =	shalt  }
0x78: {  	_ =	shalt  }
0x79: {  	_ =	shalt  }
0x7a: {  	_ =	shalt  }
0x7b: {  	_ =	shalt  }
0x7c: {  	_ =	shalt  }
0x7d: {  	_ =	shalt  }
0x7e: {  	_ =	shalt  }
0x7f: {  	_ =	shalt  }
0x80: {  	_ =	shalt  }
0x81: {  	_ =	shalt  }
0x82: {  	_ =	shalt  }
0x83: {  	_ =	shalt  }
0x84: {  	_ =	shalt  }
0x85: {  	_ =	shalt  }
0x86: {  	_ =	shalt  }
0x87: {  	_ =	shalt  }
.Lfunc_end0:
.L_simem_size_0:
called_computation_lowered:
.L_overlay_start_0:
0x88: {  	s2 =	sld [smem:$0x3FD9]  }
0x89: {  	s3 =	sld [smem:$0x3FFE];
	_ =	sdelay $0x1  }
0x8a: {  	s1 =	srdreg.scid  }
0x8b: {  	s0 =	sand.u32 $0x1, s1  }
0x8c: {  	s17 =	sshll.u32 s0, $0xA;
	s2 =	sadd.s32 s3, s2  }
0x8d: {  	s2 =	sadd.s32 s2, s17  }
0x8e: {  	[smem:$0x3FC5] =	sst s2  }
0x8f: {  	_ = 	snop  }
0x90: {  	s2 =	sld [smem:$0x3FD0];
	(tm) =	ssettm $0x1  }
0x91: {  	s18 =	sld [smem:$0x3FFB];
	_ =	sdelay $0x3  }
0x92: {  	_ =	strace s18  }
0x93: {  	s3 =	sld [smem:$0x3FFC];
	_ =	sdelay $0x3  }
0x94: {  	_ =	strace s3  }
0x95: {  	s3 =	sld [smem:$0x3FFD];
	_ =	sdelay $0x3  }
0x96: {  	_ =	strace s3  }
0x97: {  	_ =	strace $0x8FFFFFFF  }
0x98: {  	s19 =	sld [smem:$0x3FDB];
	_ =	sdelay $0x1  }
0x99: {  	s4 =	simm.s32 $_scs_section_size  }
0x9a: {  	s5 =	simm.s32 $_size__tile_overlayer_lowered;
	s6 =	simm.s32 $_tile_overlayer_lowered  }
0x9b: {  	s22 =	simm.s32 $0x1BFF;
	s21 =	sshll.u32 s6, $0x1;
	s3 =	sadd.s32 s4, s19  }
0x9c: {  	s7 =	simm.s32 $0x0;
	s20 =	sshll.u32 s5, $0x1;
	s5 =	sadd.s32 s21, s3  }
0x9d: {  	[timem:s7], [sflag:s22] =	dma.local [hbm:s5], s20  }
0x9e: {  	_ =	swait.ge [sflag:s22], s20  }
0x9f: {  	s4 =	ssub.s32 $0x0, s20;
	[sflag:s22] =	ssyncset.done $0x0  }
0xa0: {  	[sflag:s22] =	ssyncadd.s32 s4;
	_ =	sdelay $0x1  }
0xa1: {  	s23 =	simm.s32 $0x1B8B  }
0xa2: {  	_ =	swait.ge [sflag:s23], $0x1  }
0xa3: {  	[sflag:s23] =	ssyncset.done $0x0  }
0xa4: {  	s25 =	simm.s32 $0x1B8E;
	s24 =	sld [smem:$0x3FFE];
	[sflag:s23] =	ssyncadd.s32 $0xFFFFFFFF  }
0xa5: {  	s26 =	simm.s32 $execute0_lowered;
	[smem:$0x3FD2] =	sst s25  }
0xa6: {  	s5 =	sshll.u32 s26, $0x1;
	_ =	strace $0x80000046;
	[dreg:$0x1] =	wrdreg $0xFFFFFFFF  }
0xa7: {  	s28 =	simm.s32 $_size_execute0_lowered;
	s3 =	sadd.s32 s3, s5;
	[dreg:$0x0] =	wrdreg $0x0  }
0xa8: {  	s5 =	sshll.u32 s28, $0x1;
	[dreg:$0x2] =	wrdreg s3  }
0xa9: {  	[dreg:$0x3] =	wrdreg s5  }
0xaa: {  	[dreg:$0x4] =	wrdreg $0xC0  }
0xab: {  	_ =	task [dreg:s7], $0x5FFFF  }
0xac: {  	[dreg:$0x1] =	wrdreg $0xFFFFFFFF  }
0xad: {  	[dreg:$0x0] =	wrdreg $0x60  }
0xae: {  	[dreg:$0x2] =	wrdreg s24  }
0xaf: {  	[dreg:$0x3] =	wrdreg s2  }
0xb0: {  	[dreg:$0x4] =	wrdreg $0x9  }
0xb1: {  	_ =	task.clear_ibuf [dreg:s7], $0x5FFFF;
	_ =	strace $0x90000046  }
0xb2: {  	s29 =	simm.s32 $0x9;
	_ =	strace $0x80000048  }
0xb3: {  	_ =	swait.ge [sflag:s29], $0x1  }
0xb4: {  	[sflag:s29] =	ssyncadd.s32 $0xFFFFFFFF  }
0xb5: {  	_ =	strace $0x90000048  }
0xb6: {  	_ =	sfence  }
0xb7: {  	s30 =	sld [smem:$0x0];
	_ =	sdelay $0x2  }
0xb8: {  	s31 =	sshll.u32 s1, $0xD;
	s1 =	sshrl.u32 s1, $0x2  }
0xb9: {  	s3 =	sand.u32 $0x4000, s31;
	s1 =	sadd.s32 s1, s30  }
0xba: {  	s0 =	sor.u32 s3, s0;
	s1 =	sshll.u32 s1, $0x11  }
0xbb: {  	s0 =	sor.u32 s1, s0  }
0xbc: {  	s0 =	sadd.s32 $0x8F2B, s0  }
0xbd: {  	[sflag:s0] =	ssyncadd.remote.s32 $0x1  }
0xbe: {  	_ =	sfence.sel $0xFFFF  }
0xbf: {  	[dreg:$0x0] =	wrdreg $0xFFFFFFFF;
	(pc) =	sbr.abs _section_cstart, $3  }
0xc0: {  	[dreg:$0x1] =	wrdreg $0xFFFFFFFF  }
0xc1: {  	_ =	task.clear_ibuf [dreg:s7], $0x2FFFF;
	_ =	strace $0x9FFFFFFF  }
0xc2: {  	(tm) =	ssettm $0x7FFFFFFF  }
0xc3: {  	_ =	shalt  }
tec
execute0_lowered:
.L_overlay_start_1:
0x0: {  	(tag) =	ssettag $0x1  }
0x1: {  	s4 =	rddreg [dreg:$0x0]  }
0x2: {  	s1 =	rddreg [dreg:$0x1]  }
0x3: {  	s2 =	srdreg.scid;
	s0 =	rddreg [dreg:$0x2];
	s3 =	simm.s32 $0x0  }
0x4: {  	s18 =	simm.s32 $0x80;
	s19 =	simm.s32 $0xA0;
	s20 =	simm.s32 $0xC0  }
0x5: {  	s21 =	simm.s32 $0xE0;
	s22 =	simm.s32 $0x100;
	s23 =	simm.s32 $0x1100  }
0x6: {  	s24 =	simm.s32 $0x1;
	s28 =	simm.s32 $0x2;
	s29 =	simm.s32 $0x1980  }
0x7: {  	s30 =	simm.s32 $0x4;
	s5 =	sand.u32 $0x1, s2;
	[smem:$0x7FF] =	sst s3  }
0x8: {  	s2 =	stileid.u32;
	s11 =	sadd.s32 $0x4C00, s4;
	s6 =	sshll.u32 s5, $0x4  }
0x9: {  	_ =	strace $0x80000047;
	s7 =	sshll.u32 s2, $0x5;
	s8 =	sshll.u32 s2, $0x4  }
0xa: {  	s5 =	ssub.s32 $0x2, s5;
	s10 =	sor.u32 s2, s6;
	s8 =	sand.u32 $0x70, s8  }
0xb: {  	s13 =	sshrl.u32 s5, $0x1;
	s26 =	sand.u32 $0x60, s7;
	s6 =	sshll.u32 s10, $0x9  }
0xc: {  	s9 =	sshll.u32 s10, $0x8;
	s14 =	sadd.s32 s8, s4;
	s15 =	ssub.s32 s5, s13  }
0xd: {  	s10 =	sshll.u32 s10, $0x4;
	s12 =	sadd.s32 s6, s4;
	s25 =	sor.u32 s7, s9  }
0xe: {  	s13 =	sor.u32 s26, s9;
	s17 =	sand.u32 $0x180, s10;
	s26 =	simm.s32 $0x3  }
0xf: {  	s6 =	sand.u32 $0x1C60, s25;
	s13 =	sshrl.u32 s13, $0x3;
	s31 =	sadd.s32 s17, s14  }
0x10: {  	s12 =	sadd.s32 $0xC00, s12;
	s14 =	smax.u32 s15, $0x1;
	s15 =	simm.s32 $0x20  }
0x11: {  	s17 =	simm.s32 $0x60;
	s25 =	simm.s32 $0x1180;
	s6 =	sshrl.u32 s6, $0x3  }
0x12: {  	s16 =	sor.u32 $0x60, s13;
	s13 =	sor.u32 $0x70, s13;
	s4 =	sadd.s32 s11, s6  }
0x13: {  	s10 =	sadd.s32 s11, s16;
	s11 =	sadd.s32 s11, s13;
	s13 =	sadd.s32 $0x5000, s31  }
0x14: {  	s16 =	simm.s32 $0x40;
	s5 =	sadd.s32 $0x10, s4;
	s6 =	sadd.s32 $0x20, s4  }
0x15: {  	v0 =	vimm.f32 $0.0e+00;
	v1 =	vimm.f32 $1.000000000e+00;
	s7 =	sadd.s32 $0x30, s4;
	s8 =	sadd.s32 $0x40, s4;
	s9 =	sadd.s32 $0x50, s4  }
.LBB2_1:
0x16: {  	[tilespmem:s3], [sflag:$0x1] =	stream.linear.gather [hbm4b:s4+s3], $0x20, $0x38;
	[tilespmem:$0x1A00] =	vst v63  }
0x17: {  	_ = 	snop  }
0x18: {  	[tilespmem:s15], [sflag:$0x1] =	stream.linear.gather [hbm4b:s5+s3], $0x20, $0x38;
	[tilespmem:$0x1A00] =	vst v63  }
0x19: {  	_ = 	snop  }
0x1a: {  	[tilespmem:s16], [sflag:$0x1] =	stream.linear.gather [hbm4b:s6+s3], $0x20, $0x38;
	[tilespmem:$0x1A00] =	vst v63  }
0x1b: {  	_ = 	snop  }
0x1c: {  	[tilespmem:s17], [sflag:$0x1] =	stream.linear.gather [hbm4b:s7+s3], $0x20, $0x38;
	[tilespmem:$0x1A00] =	vst v63  }
0x1d: {  	_ = 	snop  }
0x1e: {  	[tilespmem:s18], [sflag:$0x1] =	stream.linear.gather [hbm4b:s8+s3], $0x20, $0x38;
	[tilespmem:$0x1A00] =	vst v63  }
0x1f: {  	_ = 	snop  }
0x20: {  	[tilespmem:s19], [sflag:$0x1] =	stream.linear.gather [hbm4b:s9+s3], $0x20, $0x38;
	[tilespmem:$0x1A00] =	vst v63  }
0x21: {  	_ = 	snop  }
0x22: {  	[tilespmem:s20], [sflag:$0x1] =	stream.linear.gather [hbm4b:s10+s3], $0x20, $0x38;
	[tilespmem:$0x1A00] =	vst v63  }
0x23: {  	_ = 	snop  }
0x24: {  	[tilespmem:s21], [sflag:$0x1] =	stream.linear.gather [hbm4b:s11+s3], $0x20, $0x38;
	[tilespmem:$0x1A00] =	vst v63  }
0x25: {  	_ = 	snop  }
0x26: {  	[tilespmem:s22], [sflag:$0x2] =	stream.linear.gather [hbm4b:s12+s3], $0x1000, $0x38;
	[tilespmem:$0x1A00] =	vst v63  }
0x27: {  	_ = 	snop  }
0x28: {  	[tilespmem:s23], [sflag:$0x3] =	stream.linear.gather [hbm4b:s1+s3], $0x80, $0x38;
	[tilespmem:$0x1A00] =	vst v63  }
0x29: {  	[tilespmem:$0x1180] =	vst v0  }
0x2a: {  	[tilespmem:$0x1190] =	vst v0  }
0x2b: {  	[tilespmem:$0x11A0] =	vst v0  }
0x2c: {  	[tilespmem:$0x11B0] =	vst v0  }
0x2d: {  	[tilespmem:$0x11C0] =	vst v0  }
0x2e: {  	[tilespmem:$0x11D0] =	vst v0  }
0x2f: {  	[tilespmem:$0x11E0] =	vst v0  }
0x30: {  	[tilespmem:$0x11F0] =	vst v0  }
0x31: {  	[tilespmem:$0x1200] =	vst v0  }
0x32: {  	[tilespmem:$0x1210] =	vst v0  }
0x33: {  	[tilespmem:$0x1220] =	vst v0  }
0x34: {  	[tilespmem:$0x1230] =	vst v0  }
0x35: {  	[tilespmem:$0x1240] =	vst v0  }
0x36: {  	[tilespmem:$0x1250] =	vst v0  }
0x37: {  	[tilespmem:$0x1260] =	vst v0  }
0x38: {  	[tilespmem:$0x1270] =	vst v0  }
0x39: {  	[tilespmem:$0x1280] =	vst v0  }
0x3a: {  	[tilespmem:$0x1290] =	vst v0  }
0x3b: {  	[tilespmem:$0x12A0] =	vst v0  }
0x3c: {  	[tilespmem:$0x12B0] =	vst v0  }
0x3d: {  	[tilespmem:$0x12C0] =	vst v0  }
0x3e: {  	[tilespmem:$0x12D0] =	vst v0  }
0x3f: {  	[tilespmem:$0x12E0] =	vst v0  }
0x40: {  	[tilespmem:$0x12F0] =	vst v0  }
0x41: {  	[tilespmem:$0x1300] =	vst v0  }
0x42: {  	[tilespmem:$0x1310] =	vst v0  }
0x43: {  	[tilespmem:$0x1320] =	vst v0  }
0x44: {  	[tilespmem:$0x1330] =	vst v0  }
0x45: {  	[tilespmem:$0x1340] =	vst v0  }
0x46: {  	[tilespmem:$0x1350] =	vst v0  }
0x47: {  	[tilespmem:$0x1360] =	vst v0  }
0x48: {  	[tilespmem:$0x1370] =	vst v0  }
0x49: {  	[tilespmem:$0x1380] =	vst v0  }
0x4a: {  	[tilespmem:$0x1390] =	vst v0  }
0x4b: {  	[tilespmem:$0x13A0] =	vst v0  }
0x4c: {  	[tilespmem:$0x13B0] =	vst v0  }
0x4d: {  	[tilespmem:$0x13C0] =	vst v0  }
0x4e: {  	[tilespmem:$0x13D0] =	vst v0  }
0x4f: {  	[tilespmem:$0x13E0] =	vst v0  }
0x50: {  	[tilespmem:$0x13F0] =	vst v0  }
0x51: {  	[tilespmem:$0x1400] =	vst v0  }
0x52: {  	[tilespmem:$0x1410] =	vst v0  }
0x53: {  	[tilespmem:$0x1420] =	vst v0  }
0x54: {  	[tilespmem:$0x1430] =	vst v0  }
0x55: {  	[tilespmem:$0x1440] =	vst v0  }
0x56: {  	[tilespmem:$0x1450] =	vst v0  }
0x57: {  	[tilespmem:$0x1460] =	vst v0  }
0x58: {  	[tilespmem:$0x1470] =	vst v0  }
0x59: {  	[tilespmem:$0x1480] =	vst v0  }
0x5a: {  	[tilespmem:$0x1490] =	vst v0  }
0x5b: {  	[tilespmem:$0x14A0] =	vst v0  }
0x5c: {  	[tilespmem:$0x14B0] =	vst v0  }
0x5d: {  	[tilespmem:$0x14C0] =	vst v0  }
0x5e: {  	[tilespmem:$0x14D0] =	vst v0  }
0x5f: {  	[tilespmem:$0x14E0] =	vst v0  }
0x60: {  	[tilespmem:$0x14F0] =	vst v0  }
0x61: {  	[tilespmem:$0x1500] =	vst v0  }
0x62: {  	[tilespmem:$0x1510] =	vst v0  }
0x63: {  	[tilespmem:$0x1520] =	vst v0  }
0x64: {  	[tilespmem:$0x1530] =	vst v0  }
0x65: {  	[tilespmem:$0x1540] =	vst v0  }
0x66: {  	[tilespmem:$0x1550] =	vst v0  }
0x67: {  	[tilespmem:$0x1560] =	vst v0  }
0x68: {  	[tilespmem:$0x1570] =	vst v0  }
0x69: {  	[tilespmem:$0x1580] =	vst v0  }
0x6a: {  	[tilespmem:$0x1590] =	vst v0  }
0x6b: {  	[tilespmem:$0x15A0] =	vst v0  }
0x6c: {  	[tilespmem:$0x15B0] =	vst v0  }
0x6d: {  	[tilespmem:$0x15C0] =	vst v0  }
0x6e: {  	[tilespmem:$0x15D0] =	vst v0  }
0x6f: {  	[tilespmem:$0x15E0] =	vst v0  }
0x70: {  	[tilespmem:$0x15F0] =	vst v0  }
0x71: {  	[tilespmem:$0x1600] =	vst v0  }
0x72: {  	[tilespmem:$0x1610] =	vst v0  }
0x73: {  	[tilespmem:$0x1620] =	vst v0  }
0x74: {  	[tilespmem:$0x1630] =	vst v0  }
0x75: {  	[tilespmem:$0x1640] =	vst v0  }
0x76: {  	[tilespmem:$0x1650] =	vst v0  }
0x77: {  	[tilespmem:$0x1660] =	vst v0  }
0x78: {  	[tilespmem:$0x1670] =	vst v0  }
0x79: {  	[tilespmem:$0x1680] =	vst v0  }
0x7a: {  	[tilespmem:$0x1690] =	vst v0  }
0x7b: {  	[tilespmem:$0x16A0] =	vst v0  }
0x7c: {  	[tilespmem:$0x16B0] =	vst v0  }
0x7d: {  	[tilespmem:$0x16C0] =	vst v0  }
0x7e: {  	[tilespmem:$0x16D0] =	vst v0  }
0x7f: {  	[tilespmem:$0x16E0] =	vst v0  }
0x80: {  	[tilespmem:$0x16F0] =	vst v0  }
0x81: {  	[tilespmem:$0x1700] =	vst v0  }
0x82: {  	[tilespmem:$0x1710] =	vst v0  }
0x83: {  	[tilespmem:$0x1720] =	vst v0  }
0x84: {  	[tilespmem:$0x1730] =	vst v0  }
0x85: {  	[tilespmem:$0x1740] =	vst v0  }
0x86: {  	[tilespmem:$0x1750] =	vst v0  }
0x87: {  	[tilespmem:$0x1760] =	vst v0  }
0x88: {  	[tilespmem:$0x1770] =	vst v0  }
0x89: {  	[tilespmem:$0x1780] =	vst v0  }
0x8a: {  	[tilespmem:$0x1790] =	vst v0  }
0x8b: {  	[tilespmem:$0x17A0] =	vst v0  }
0x8c: {  	[tilespmem:$0x17B0] =	vst v0  }
0x8d: {  	[tilespmem:$0x17C0] =	vst v0  }
0x8e: {  	[tilespmem:$0x17D0] =	vst v0  }
0x8f: {  	[tilespmem:$0x17E0] =	vst v0  }
0x90: {  	[tilespmem:$0x17F0] =	vst v0  }
0x91: {  	[tilespmem:$0x1800] =	vst v0  }
0x92: {  	[tilespmem:$0x1810] =	vst v0  }
0x93: {  	[tilespmem:$0x1820] =	vst v0  }
0x94: {  	[tilespmem:$0x1830] =	vst v0  }
0x95: {  	[tilespmem:$0x1840] =	vst v0  }
0x96: {  	[tilespmem:$0x1850] =	vst v0  }
0x97: {  	[tilespmem:$0x1860] =	vst v0  }
0x98: {  	[tilespmem:$0x1870] =	vst v0  }
0x99: {  	[tilespmem:$0x1880] =	vst v0  }
0x9a: {  	[tilespmem:$0x1890] =	vst v0  }
0x9b: {  	[tilespmem:$0x18A0] =	vst v0  }
0x9c: {  	[tilespmem:$0x18B0] =	vst v0  }
0x9d: {  	[tilespmem:$0x18C0] =	vst v0  }
0x9e: {  	[tilespmem:$0x18D0] =	vst v0  }
0x9f: {  	[tilespmem:$0x18E0] =	vst v0  }
0xa0: {  	[tilespmem:$0x18F0] =	vst v0  }
0xa1: {  	[tilespmem:$0x1900] =	vst v0  }
0xa2: {  	[tilespmem:$0x1910] =	vst v0  }
0xa3: {  	[tilespmem:$0x1920] =	vst v0  }
0xa4: {  	[tilespmem:$0x1930] =	vst v0  }
0xa5: {  	[tilespmem:$0x1940] =	vst v0  }
0xa6: {  	[tilespmem:$0x1950] =	vst v0  }
0xa7: {  	[tilespmem:$0x1960] =	vst v0  }
0xa8: {  	[tilespmem:$0x1970] =	vst v0  }
0xa9: {  	_ =	swait.ge [sflag:s24], $0x20  }
0xaa: {  	[sflag:s24] =	ssyncset.done $0x0  }
0xab: {  	[sflag:s24] =	ssyncadd.s32 $0xFFFFFFE0  }
0xac: {  	_ =	swait.ge [sflag:s24], $0x20  }
0xad: {  	[sflag:s24] =	ssyncset.done $0x0  }
0xae: {  	[sflag:s24] =	ssyncadd.s32 $0xFFFFFFE0  }
0xaf: {  	_ =	swait.ge [sflag:s24], $0x20  }
0xb0: {  	[sflag:s24] =	ssyncset.done $0x0  }
0xb1: {  	[sflag:s24] =	ssyncadd.s32 $0xFFFFFFE0  }
0xb2: {  	_ =	swait.ge [sflag:s24], $0x20  }
0xb3: {  	[sflag:s24] =	ssyncset.done $0x0  }
0xb4: {  	[sflag:s24] =	ssyncadd.s32 $0xFFFFFFE0  }
0xb5: {  	_ =	swait.ge [sflag:s24], $0x20  }
0xb6: {  	[sflag:s24] =	ssyncset.done $0x0  }
0xb7: {  	[sflag:s24] =	ssyncadd.s32 $0xFFFFFFE0  }
0xb8: {  	_ =	swait.ge [sflag:s24], $0x20  }
0xb9: {  	[sflag:s24] =	ssyncset.done $0x0  }
0xba: {  	[sflag:s24] =	ssyncadd.s32 $0xFFFFFFE0  }
0xbb: {  	_ =	swait.ge [sflag:s24], $0x20  }
0xbc: {  	[sflag:s24] =	ssyncset.done $0x0  }
0xbd: {  	[sflag:s24] =	ssyncadd.s32 $0xFFFFFFE0  }
0xbe: {  	_ =	swait.ge [sflag:s24], $0x20  }
0xbf: {  	[sflag:s24] =	ssyncset.done $0x0  }
0xc0: {  	[sflag:s24] =	ssyncadd.s32 $0xFFFFFFE0  }
0xc1: {  	v2 =	vld [tilespmem:$0x0];
	_ =	sdelay $0x7  }
0xc2: {  	[tilespmem:v2+s25+$0x0] =	vst.idx.add.f32.msk $0xffff, v1  }
0xc3: {  	v2 =	vld [tilespmem:$0x10];
	_ =	sdelay $0x7  }
0xc4: {  	[tilespmem:v2+s25+$0x0] =	vst.idx.add.f32.msk $0xffff, v1  }
0xc5: {  	v2 =	vld [tilespmem:$0x20];
	_ =	sdelay $0x7  }
0xc6: {  	[tilespmem:v2+s25+$0x0] =	vst.idx.add.f32.msk $0xffff, v1  }
0xc7: {  	v2 =	vld [tilespmem:$0x30];
	_ =	sdelay $0x7  }
0xc8: {  	[tilespmem:v2+s25+$0x0] =	vst.idx.add.f32.msk $0xffff, v1  }
0xc9: {  	v2 =	vld [tilespmem:$0x40];
	_ =	sdelay $0x7  }
0xca: {  	[tilespmem:v2+s25+$0x0] =	vst.idx.add.f32.msk $0xffff, v1  }
0xcb: {  	v2 =	vld [tilespmem:$0x50];
	_ =	sdelay $0x7  }
0xcc: {  	[tilespmem:v2+s25+$0x0] =	vst.idx.add.f32.msk $0xffff, v1  }
0xcd: {  	v2 =	vld [tilespmem:$0x60];
	_ =	sdelay $0x7  }
0xce: {  	[tilespmem:v2+s25+$0x0] =	vst.idx.add.f32.msk $0xffff, v1  }
0xcf: {  	v2 =	vld [tilespmem:$0x70];
	_ =	sdelay $0x7  }
0xd0: {  	[tilespmem:v2+s25+$0x0] =	vst.idx.add.f32.msk $0xffff, v1  }
0xd1: {  	v2 =	vld [tilespmem:$0x80];
	_ =	sdelay $0x7  }
0xd2: {  	[tilespmem:v2+s25+$0x0] =	vst.idx.add.f32.msk $0xffff, v1  }
0xd3: {  	v2 =	vld [tilespmem:$0x90];
	_ =	sdelay $0x7  }
0xd4: {  	[tilespmem:v2+s25+$0x0] =	vst.idx.add.f32.msk $0xffff, v1  }
0xd5: {  	v2 =	vld [tilespmem:$0xA0];
	_ =	sdelay $0x7  }
0xd6: {  	[tilespmem:v2+s25+$0x0] =	vst.idx.add.f32.msk $0xffff, v1  }
0xd7: {  	v2 =	vld [tilespmem:$0xB0];
	_ =	sdelay $0x7  }
0xd8: {  	[tilespmem:v2+s25+$0x0] =	vst.idx.add.f32.msk $0xffff, v1  }
0xd9: {  	v2 =	vld [tilespmem:$0xC0];
	_ =	sdelay $0x7  }
0xda: {  	[tilespmem:v2+s25+$0x0] =	vst.idx.add.f32.msk $0xffff, v1  }
0xdb: {  	v2 =	vld [tilespmem:$0xD0];
	_ =	sdelay $0x7  }
0xdc: {  	[tilespmem:v2+s25+$0x0] =	vst.idx.add.f32.msk $0xffff, v1  }
0xdd: {  	v2 =	vld [tilespmem:$0xE0];
	_ =	sdelay $0x7  }
0xde: {  	[tilespmem:v2+s25+$0x0] =	vst.idx.add.f32.msk $0xffff, v1  }
0xdf: {  	v2 =	vld [tilespmem:$0xF0];
	_ =	sdelay $0x7  }
0xe0: {  	[tilespmem:v2+s25+$0x0] =	vst.idx.add.f32.msk $0xffff, v1  }
0xe1: {  	_ =	swait.ge [sflag:s26], $0x80  }
0xe2: {  	[sflag:s26] =	ssyncset.done $0x0  }
0xe3: {  	[sflag:s26] =	ssyncadd.s32 $0xFFFFFF80  }
0xe4: {  	_ =	swait.ge [sflag:s28], $0x1000  }
0xe5: {  	[sflag:s28] =	ssyncset.done $0x0  }
0xe6: {  	[sflag:s28] =	ssyncadd.s32 $0xFFFFF000  }
0xe7: {  	v2 =	vld [tilespmem:$0x100]  }
0xe8: {  	v3 =	vld [tilespmem:$0x110]  }
0xe9: {  	v4 =	vld [tilespmem:$0x180]  }
0xea: {  	v5 =	vld [tilespmem:$0x190]  }
0xeb: {  	v7 =	vld [tilespmem:$0x200]  }
0xec: {  	v9 =	vld [tilespmem:$0x210]  }
0xed: {  	v10 =	vld [tilespmem:$0x280]  }
0xee: {  	v11 =	vld [tilespmem:$0x290]  }
0xef: {  	v32 =	vld [tilespmem:$0x300]  }
0xf0: {  	v33 =	vld [tilespmem:$0x310]  }
0xf1: {  	v12 =	vld [tilespmem:$0x380]  }
0xf2: {  	v13 =	vld [tilespmem:$0x390]  }
0xf3: {  	v14 =	vld [tilespmem:$0x400]  }
0xf4: {  	v15 =	vld [tilespmem:$0x410]  }
0xf5: {  	v16 =	vld [tilespmem:$0x480]  }
0xf6: {  	v17 =	vld [tilespmem:$0x490]  }
0xf7: {  	v41 =	vld [tilespmem:$0x500]  }
0xf8: {  	v42 =	vld [tilespmem:$0x510]  }
0xf9: {  	v43 =	vld [tilespmem:$0x580]  }
0xfa: {  	v21 =	vld [tilespmem:$0x590]  }
0xfb: {  	v22 =	vld [tilespmem:$0x600]  }
0xfc: {  	v23 =	vld [tilespmem:$0x610]  }
0xfd: {  	v24 =	vld [tilespmem:$0x680]  }
0xfe: {  	v25 =	vld [tilespmem:$0x690]  }
0xff: {  	v45 =	vld [tilespmem:$0x700]  }
0x100: {  	v53 =	vld [tilespmem:$0x800]  }
0x101: {  	v58 =	vld [tilespmem:$0x900]  }
0x102: {  	v59 =	vld [tilespmem:$0x910]  }
0x103: {  	v2 =	vld.idx.msk [tilespmem:v2+s25+$0x0], $0xffff  }
0x104: {  	v3 =	vld.idx.msk [tilespmem:v3+s25+$0x0], $0xffff  }
0x105: {  	v4 =	vld.idx.msk [tilespmem:v4+s25+$0x0], $0xffff  }
0x106: {  	v5 =	vld.idx.msk [tilespmem:v5+s25+$0x0], $0xffff  }
0x107: {  	v28 =	vld.idx.msk [tilespmem:v7+s25+$0x0], $0xffff  }
0x108: {  	v29 =	vld.idx.msk [tilespmem:v9+s25+$0x0], $0xffff  }
0x109: {  	v30 =	vld.idx.msk [tilespmem:v10+s25+$0x0], $0xffff  }
0x10a: {  	v31 =	vld.idx.msk [tilespmem:v11+s25+$0x0], $0xffff  }
0x10b: {  	v10 =	vld.idx.msk [tilespmem:v32+s25+$0x0], $0xffff  }
0x10c: {  	v11 =	vld.idx.msk [tilespmem:v33+s25+$0x0], $0xffff  }
0x10d: {  	v12 =	vld.idx.msk [tilespmem:v12+s25+$0x0], $0xffff  }
0x10e: {  	v13 =	vld.idx.msk [tilespmem:v13+s25+$0x0], $0xffff  }
0x10f: {  	v14 =	vld.idx.msk [tilespmem:v14+s25+$0x0], $0xffff  }
0x110: {  	v15 =	vld.idx.msk [tilespmem:v15+s25+$0x0], $0xffff  }
0x111: {  	v16 =	vld.idx.msk [tilespmem:v16+s25+$0x0], $0xffff  }
0x112: {  	v17 =	vld.idx.msk [tilespmem:v17+s25+$0x0], $0xffff  }
0x113: {  	v21 =	vld.idx.msk [tilespmem:v21+s25+$0x0], $0xffff  }
0x114: {  	v22 =	vld.idx.msk [tilespmem:v22+s25+$0x0], $0xffff  }
0x115: {  	v26 =	vld.idx.msk [tilespmem:v23+s25+$0x0], $0xffff  }
0x116: {  	v24 =	vld.idx.msk [tilespmem:v24+s25+$0x0], $0xffff  }
0x117: {  	v25 =	vld.idx.msk [tilespmem:v25+s25+$0x0], $0xffff  }
0x118: {  	v47 =	vld.idx.msk [tilespmem:v45+s25+$0x0], $0xffff  }
0x119: {  	v33 =	vld [tilespmem:$0x810]  }
0x11a: {  	v54 =	vld.idx.msk [tilespmem:v53+s25+$0x0], $0xffff;
	v2 =	vtrunc.f32 v2  }
0x11b: {  	v45 =	vld [tilespmem:$0xB90];
	v3 =	vtrunc.f32 v3;
	v4 =	vtrunc.f32 v4  }
0x11c: {  	v53 =	vld [tilespmem:$0xD80];
	v61 =	vtrunc.f32 v5;
	v7 =	vtrunc.f32 v29  }
0x11d: {  	v9 =	vtrunc.f32 v31;
	v37 =	vtrunc.f32 v15;
	v29 =	vld [tilespmem:$0x710]  }
0x11e: {  	v38 =	vtrunc.f32 v16;
	v39 =	vtrunc.f32 v17;
	v31 =	vld [tilespmem:$0x790]  }
0x11f: {  	v46 =	vtrunc.f32 v22;
	v49 =	vtrunc.f32 v47;
	v47 =	vld [tilespmem:$0xC10]  }
0x120: {  	v2 =	vcvt.f32.s32 v2;
	v19 =	vcvt.f32.s32 v37;
	v37 =	vld [tilespmem:$0x990]  }
0x121: {  	v3 =	vcvt.f32.s32 v3;
	v20 =	vcvt.f32.s32 v38;
	v38 =	vld [tilespmem:$0xA00]  }
0x122: {  	v6 =	vcvt.f32.s32 v4;
	v40 =	vcvt.f32.s32 v39;
	v39 =	vld [tilespmem:$0xA10]  }
0x123: {  	v8 =	vcvt.f32.s32 v61;
	v22 =	vcvt.f32.s32 v46;
	v46 =	vld [tilespmem:$0xC00]  }
0x124: {  	v7 =	vcvt.f32.s32 v7;
	v55 =	vld.idx.msk [tilespmem:v33+s25+$0x0], $0xffff  }
0x125: {  	v10 =	vtrunc.f32 v10;
	v9 =	vcvt.f32.s32 v9;
	v45 =	vld.idx.msk [tilespmem:v45+s25+$0x0], $0xffff  }
0x126: {  	v11 =	vtrunc.f32 v11;
	v10 =	vcvt.f32.s32 v10;
	v62 =	vld.idx.msk [tilespmem:v2+s23+$0x0], $0xffff  }
0x127: {  	v12 =	vtrunc.f32 v12;
	v18 =	vcvt.f32.s32 v11;
	v63 =	vld.idx.msk [tilespmem:v3+s23+$0x0], $0xffff  }
0x128: {  	v13 =	vtrunc.f32 v13;
	v34 =	vcvt.f32.s32 v12;
	v3 =	vld.idx.msk [tilespmem:v6+s23+$0x0], $0xffff  }
0x129: {  	v14 =	vtrunc.f32 v14;
	v35 =	vcvt.f32.s32 v13;
	v2 =	vld.idx.msk [tilespmem:v8+s23+$0x0], $0xffff  }
0x12a: {  	v36 =	vcvt.f32.s32 v14;
	v12 =	vld.idx.msk [tilespmem:v7+s23+$0x0], $0xffff  }
0x12b: {  	v15 =	vld.idx.msk [tilespmem:v9+s23+$0x0], $0xffff  }
0x12c: {  	v16 =	vld.idx.msk [tilespmem:v10+s23+$0x0], $0xffff  }
0x12d: {  	v17 =	vld.idx.msk [tilespmem:v18+s23+$0x0], $0xffff  }
0x12e: {  	v14 =	vld.idx.msk [tilespmem:v34+s23+$0x0], $0xffff  }
0x12f: {  	v26 =	vtrunc.f32 v26;
	v10 =	vld.idx.msk [tilespmem:v35+s23+$0x0], $0xffff  }
0x130: {  	v24 =	vtrunc.f32 v24;
	v26 =	vcvt.f32.s32 v26;
	v9 =	vld.idx.msk [tilespmem:v36+s23+$0x0], $0xffff  }
0x131: {  	v25 =	vtrunc.f32 v25;
	v24 =	vcvt.f32.s32 v24;
	v7 =	vld.idx.msk [tilespmem:v20+s23+$0x0], $0xffff  }
0x132: {  	v48 =	vcvt.f32.s32 v25;
	v18 =	vld.idx.msk [tilespmem:v41+s25+$0x0], $0xffff  }
0x133: {  	v20 =	vld.idx.msk [tilespmem:v43+s25+$0x0], $0xffff  }
0x134: {  	v8 =	vtrunc.f32 v30;
	v30 =	vld [tilespmem:$0x780]  }
0x135: {  	v25 =	vld.idx.msk [tilespmem:v22+s23+$0x0], $0xffff  }
0x136: {  	v44 =	vtrunc.f32 v21;
	v21 =	vld.idx.msk [tilespmem:v26+s23+$0x0], $0xffff  }
0x137: {  	v22 =	vld.idx.msk [tilespmem:v24+s23+$0x0], $0xffff  }
0x138: {  	v24 =	vld.idx.msk [tilespmem:v48+s23+$0x0], $0xffff  }
0x139: {  	v34 =	vld [tilespmem:$0x880]  }
0x13a: {  	v35 =	vld [tilespmem:$0x890]  }
0x13b: {  	v36 =	vld [tilespmem:$0x980]  }
0x13c: {  	v41 =	vld [tilespmem:$0xA90]  }
0x13d: {  	v43 =	vld [tilespmem:$0xB10]  }
0x13e: {  	v6 =	vtrunc.f32 v28;
	v28 =	vcvt.f32.s32 v44;
	v44 =	vld [tilespmem:$0xB80]  }
0x13f: {  	v48 =	vld [tilespmem:$0xC80]  }
0x140: {  	v26 =	vcvt.f32.s32 v49;
	v49 =	vld [tilespmem:$0xC90]  }
0x141: {  	v29 =	vld.idx.msk [tilespmem:v29+s25+$0x0], $0xffff  }
0x142: {  	v31 =	vld.idx.msk [tilespmem:v31+s25+$0x0], $0xffff  }
0x143: {  	v6 =	vcvt.f32.s32 v6;
	v47 =	vld.idx.msk [tilespmem:v47+s25+$0x0], $0xffff  }
0x144: {  	v8 =	vcvt.f32.s32 v8;
	v37 =	vld.idx.msk [tilespmem:v37+s25+$0x0], $0xffff  }
0x145: {  	v38 =	vld.idx.msk [tilespmem:v38+s25+$0x0], $0xffff  }
0x146: {  	v39 =	vld.idx.msk [tilespmem:v39+s25+$0x0], $0xffff  }
0x147: {  	v46 =	vld.idx.msk [tilespmem:v46+s25+$0x0], $0xffff  }
0x148: {  	v50 =	vtrunc.f32 v29;
	v29 =	vld.idx.msk [tilespmem:v26+s23+$0x0], $0xffff  }
0x149: {  	v11 =	vld.idx.msk [tilespmem:v6+s23+$0x0], $0xffff  }
0x14a: {  	v13 =	vld.idx.msk [tilespmem:v8+s23+$0x0], $0xffff  }
0x14b: {  	v8 =	vld.idx.msk [tilespmem:v19+s23+$0x0], $0xffff  }
0x14c: {  	v6 =	vld.idx.msk [tilespmem:v40+s23+$0x0], $0xffff  }
0x14d: {  	v19 =	vld.idx.msk [tilespmem:v42+s25+$0x0], $0xffff  }
0x14e: {  	v40 =	vld [tilespmem:$0xA80]  }
0x14f: {  	v52 =	vtrunc.f32 v31;
	v42 =	vld [tilespmem:$0xB00]  }
0x150: {  	v32 =	vcvt.f32.s32 v52;
	v52 =	vld [tilespmem:$0xD10]  }
0x151: {  	v30 =	vld.idx.msk [tilespmem:v30+s25+$0x0], $0xffff  }
0x152: {  	v56 =	vld.idx.msk [tilespmem:v34+s25+$0x0], $0xffff  }
0x153: {  	v57 =	vld.idx.msk [tilespmem:v35+s25+$0x0], $0xffff  }
0x154: {  	v34 =	vld.idx.msk [tilespmem:v58+s25+$0x0], $0xffff  }
0x155: {  	v18 =	vtrunc.f32 v18;
	v35 =	vld.idx.msk [tilespmem:v59+s25+$0x0], $0xffff  }
0x156: {  	v18 =	vcvt.f32.s32 v18;
	v36 =	vld.idx.msk [tilespmem:v36+s25+$0x0], $0xffff  }
0x157: {  	v41 =	vld.idx.msk [tilespmem:v41+s25+$0x0], $0xffff  }
0x158: {  	v31 =	vtrunc.f32 v55;
	v43 =	vld.idx.msk [tilespmem:v43+s25+$0x0], $0xffff  }
0x159: {  	v31 =	vcvt.f32.s32 v31;
	v37 =	vtrunc.f32 v37;
	v44 =	vld.idx.msk [tilespmem:v44+s25+$0x0], $0xffff  }
0x15a: {  	v38 =	vtrunc.f32 v38;
	v37 =	vcvt.f32.s32 v37;
	v48 =	vld.idx.msk [tilespmem:v48+s25+$0x0], $0xffff  }
0x15b: {  	v5 =	vadd.f32 $0.0e+00, v62;
	v39 =	vtrunc.f32 v39;
	v38 =	vcvt.f32.s32 v38;
	v62 =	vld.idx.msk [tilespmem:v49+s25+$0x0], $0xffff  }
0x15c: {  	v39 =	vcvt.f32.s32 v39;
	v23 =	vld.idx.msk [tilespmem:v18+s23+$0x0], $0xffff  }
0x15d: {  	v18 =	vld.idx.msk [tilespmem:v28+s23+$0x0], $0xffff  }
0x15e: {  	v26 =	vld.idx.msk [tilespmem:v32+s23+$0x0], $0xffff  }
0x15f: {  	v20 =	vtrunc.f32 v20;
	v31 =	vld.idx.msk [tilespmem:v31+s23+$0x0], $0xffff  }
0x160: {  	v27 =	vcvt.f32.s32 v20;
	v19 =	vtrunc.f32 v19;
	v37 =	vld.idx.msk [tilespmem:v37+s23+$0x0], $0xffff  }
0x161: {  	v49 =	vtrunc.f32 v45;
	v19 =	vcvt.f32.s32 v19;
	v38 =	vld.idx.msk [tilespmem:v38+s23+$0x0], $0xffff  }
0x162: {  	v51 =	vtrunc.f32 v30;
	v43 =	vtrunc.f32 v43;
	v39 =	vld.idx.msk [tilespmem:v39+s23+$0x0], $0xffff  }
0x163: {  	v32 =	vtrunc.f32 v56;
	v60 =	vcvt.f32.s32 v43;
	v43 =	vld.idx.msk [tilespmem:v53+s25+$0x0], $0xffff  }
0x164: {  	v3 =	vadd.f32 v3, v5;
	v30 =	vcvt.f32.s32 v51;
	v51 =	vcvt.f32.s32 v49;
	v49 =	vld [tilespmem:$0xE00]  }
0x165: {  	v33 =	vtrunc.f32 v57;
	v56 =	vtrunc.f32 v47;
	v53 =	vld [tilespmem:$0xF00]  }
0x166: {  	v3 =	vadd.f32 v11, v3;
	v58 =	vtrunc.f32 v48;
	v57 =	vcvt.f32.s32 v56;
	v56 =	vld [tilespmem:$0xF90]  }
0x167: {  	v55 =	vtrunc.f32 v46;
	v59 =	vcvt.f32.s32 v58;
	v58 =	vld [tilespmem:$0x1010]  }
0x168: {  	v34 =	vtrunc.f32 v34;
	v32 =	vcvt.f32.s32 v32;
	v3 =	vadd.f32 v13, v3;
	v40 =	vld.idx.msk [tilespmem:v40+s25+$0x0], $0xffff  }
0x169: {  	v35 =	vtrunc.f32 v35;
	v33 =	vcvt.f32.s32 v33;
	v42 =	vld.idx.msk [tilespmem:v42+s25+$0x0], $0xffff  }
0x16a: {  	v34 =	vcvt.f32.s32 v34;
	v3 =	vadd.f32 v16, v3;
	v16 =	vcvt.f32.s32 v55;
	v55 =	vld [tilespmem:$0xF80]  }
0x16b: {  	v36 =	vtrunc.f32 v36;
	v35 =	vcvt.f32.s32 v35;
	v20 =	vld.idx.msk [tilespmem:v19+s23+$0x0], $0xffff  }
0x16c: {  	v4 =	vadd.f32 $0.0e+00, v63;
	v41 =	vtrunc.f32 v41;
	v36 =	vcvt.f32.s32 v36;
	v19 =	vld.idx.msk [tilespmem:v27+s23+$0x0], $0xffff  }
0x16d: {  	v41 =	vcvt.f32.s32 v41;
	v27 =	vcvt.f32.s32 v50;
	v50 =	vld [tilespmem:$0xD00]  }
0x16e: {  	v2 =	vadd.f32 v2, v4;
	v61 =	vtrunc.f32 v44;
	v32 =	vld.idx.msk [tilespmem:v32+s23+$0x0], $0xffff  }
0x16f: {  	v63 =	vcvt.f32.s32 v61;
	v33 =	vld.idx.msk [tilespmem:v33+s23+$0x0], $0xffff  }
0x170: {  	v2 =	vadd.f32 v12, v2;
	v34 =	vld.idx.msk [tilespmem:v34+s23+$0x0], $0xffff  }
0x171: {  	v35 =	vld.idx.msk [tilespmem:v35+s23+$0x0], $0xffff  }
0x172: {  	v2 =	vadd.f32 v15, v2;
	v36 =	vld.idx.msk [tilespmem:v36+s23+$0x0], $0xffff  }
0x173: {  	v41 =	vld.idx.msk [tilespmem:v41+s23+$0x0], $0xffff  }
0x174: {  	v2 =	vadd.f32 v17, v2;
	v5 =	vld.idx.msk [tilespmem:v60+s23+$0x0], $0xffff  }
0x175: {  	v4 =	vld.idx.msk [tilespmem:v63+s23+$0x0], $0xffff  }
0x176: {  	v2 =	vadd.f32 v10, v2;
	v11 =	vld.idx.msk [tilespmem:v51+s23+$0x0], $0xffff  }
0x177: {  	v3 =	vadd.f32 v14, v3;
	v63 =	vld.idx.msk [tilespmem:v52+s25+$0x0], $0xffff  }
0x178: {  	v2 =	vadd.f32 v8, v2;
	v46 =	vld.idx.msk [tilespmem:v57+s23+$0x0], $0xffff  }
0x179: {  	v3 =	vadd.f32 v9, v3;
	v10 =	vld.idx.msk [tilespmem:v59+s23+$0x0], $0xffff  }
0x17a: {  	v2 =	vadd.f32 v6, v2;
	v51 =	vld [tilespmem:$0xE80]  }
0x17b: {  	v52 =	vld [tilespmem:$0xE90];
	v3 =	vadd.f32 v7, v3  }
0x17c: {  	v2 =	vadd.f32 v20, v2;
	v28 =	vld.idx.msk [tilespmem:v27+s23+$0x0], $0xffff  }
0x17d: {  	v3 =	vadd.f32 v23, v3;
	v27 =	vld.idx.msk [tilespmem:v30+s23+$0x0], $0xffff;
	v30 =	vtrunc.f32 v54  }
0x17e: {  	v57 =	vld [tilespmem:$0x1000];
	v30 =	vcvt.f32.s32 v30;
	v2 =	vadd.f32 v18, v2  }
0x17f: {  	v60 =	vtrunc.f32 v62;
	v59 =	vld [tilespmem:$0x1080];
	v3 =	vadd.f32 v19, v3  }
0x180: {  	v62 =	vcvt.f32.s32 v60;
	v60 =	vld [tilespmem:$0x1090];
	v2 =	vadd.f32 v21, v2  }
0x181: {  	v8 =	vtrunc.f32 v43;
	v45 =	vld.idx.msk [tilespmem:v16+s23+$0x0], $0xffff;
	v3 =	vadd.f32 v25, v3  }
0x182: {  	v40 =	vtrunc.f32 v40;
	v8 =	vcvt.f32.s32 v8;
	v54 =	vld [tilespmem:$0xD90];
	v2 =	vadd.f32 v24, v2  }
0x183: {  	v40 =	vcvt.f32.s32 v40;
	v16 =	vld.idx.msk [tilespmem:v49+s25+$0x0], $0xffff;
	v3 =	vadd.f32 v22, v3  }
0x184: {  	v30 =	vld.idx.msk [tilespmem:v30+s23+$0x0], $0xffff;
	v2 =	vadd.f32 v28, v2  }
0x185: {  	v42 =	vtrunc.f32 v42;
	v20 =	vld.idx.msk [tilespmem:v53+s25+$0x0], $0xffff;
	v3 =	vadd.f32 v29, v3  }
0x186: {  	v42 =	vcvt.f32.s32 v42;
	v61 =	vld.idx.msk [tilespmem:v50+s25+$0x0], $0xffff;
	v2 =	vadd.f32 v26, v2  }
0x187: {  	v50 =	vld [tilespmem:$0xE10];
	v3 =	vadd.f32 v27, v3  }
0x188: {  	v8 =	vld.idx.msk [tilespmem:v8+s23+$0x0], $0xffff;
	v2 =	vadd.f32 v31, v2  }
0x189: {  	v40 =	vld.idx.msk [tilespmem:v40+s23+$0x0], $0xffff;
	v3 =	vadd.f32 v30, v3  }
0x18a: {  	v48 =	vtrunc.f32 v63;
	v44 =	vld.idx.msk [tilespmem:v54+s25+$0x0], $0xffff;
	v2 =	vadd.f32 v33, v2  }
0x18b: {  	v14 =	vcvt.f32.s32 v48;
	v54 =	vld [tilespmem:$0xF10];
	v3 =	vadd.f32 v32, v3  }
0x18c: {  	v15 =	vld.idx.msk [tilespmem:v42+s23+$0x0], $0xffff;
	v2 =	vadd.f32 v35, v2  }
0x18d: {  	v9 =	vld.idx.msk [tilespmem:v62+s23+$0x0], $0xffff;
	v3 =	vadd.f32 v34, v3  }
0x18e: {  	v18 =	vld.idx.msk [tilespmem:v51+s25+$0x0], $0xffff;
	v2 =	vadd.f32 v37, v2  }
0x18f: {  	v47 =	vtrunc.f32 v61;
	v17 =	vld.idx.msk [tilespmem:v50+s25+$0x0], $0xffff;
	v3 =	vadd.f32 v36, v3  }
0x190: {  	v19 =	vld.idx.msk [tilespmem:v52+s25+$0x0], $0xffff;
	v13 =	vcvt.f32.s32 v47;
	v2 =	vadd.f32 v39, v2  }
0x191: {  	v14 =	vld.idx.msk [tilespmem:v14+s23+$0x0], $0xffff;
	v3 =	vadd.f32 v38, v3  }
0x192: {  	v29 =	vld.idx.msk [tilespmem:v55+s25+$0x0], $0xffff;
	v7 =	vtrunc.f32 v44;
	v2 =	vadd.f32 v41, v2  }
0x193: {  	v7 =	vcvt.f32.s32 v7;
	v62 =	vld.idx.msk [tilespmem:v54+s25+$0x0], $0xffff;
	v3 =	vadd.f32 v40, v3  }
0x194: {  	v44 =	vld.idx.msk [tilespmem:v60+s25+$0x0], $0xffff;
	v28 =	vtrunc.f32 v17;
	v2 =	vadd.f32 v5, v2  }
0x195: {  	v61 =	vtrunc.f32 v16;
	v32 =	vld.idx.msk [tilespmem:v56+s25+$0x0], $0xffff;
	v30 =	vcvt.f32.s32 v28;
	v3 =	vadd.f32 v15, v3  }
0x196: {  	v63 =	vcvt.f32.s32 v61;
	v13 =	vld.idx.msk [tilespmem:v13+s23+$0x0], $0xffff;
	v34 =	vtrunc.f32 v19;
	v2 =	vadd.f32 v11, v2  }
0x197: {  	v31 =	vtrunc.f32 v18;
	v36 =	vcvt.f32.s32 v34;
	v38 =	vld.idx.msk [tilespmem:v58+s25+$0x0], $0xffff;
	v3 =	vadd.f32 v4, v3  }
0x198: {  	v33 =	vcvt.f32.s32 v31;
	v35 =	vld.idx.msk [tilespmem:v57+s25+$0x0], $0xffff;
	v40 =	vtrunc.f32 v62;
	v2 =	vadd.f32 v46, v2  }
0x199: {  	v37 =	vtrunc.f32 v20;
	v7 =	vld.idx.msk [tilespmem:v7+s23+$0x0], $0xffff;
	v42 =	vcvt.f32.s32 v40;
	v3 =	vadd.f32 v45, v3  }
0x19a: {  	v39 =	vcvt.f32.s32 v37;
	v41 =	vld.idx.msk [tilespmem:v59+s25+$0x0], $0xffff;
	v46 =	vtrunc.f32 v32;
	v2 =	vadd.f32 v9, v2  }
0x19b: {  	v43 =	vtrunc.f32 v29;
	v4 =	vld.idx.msk [tilespmem:v30+s23+$0x0], $0xffff;
	v47 =	vcvt.f32.s32 v46;
	v3 =	vadd.f32 v10, v3  }
0x19c: {  	v5 =	vld.idx.msk [tilespmem:v63+s23+$0x0], $0xffff;
	v50 =	vtrunc.f32 v38;
	v45 =	vcvt.f32.s32 v43;
	v2 =	vadd.f32 v14, v2  }
0x19d: {  	v48 =	vtrunc.f32 v35;
	v6 =	vld.idx.msk [tilespmem:v36+s23+$0x0], $0xffff;
	v51 =	vcvt.f32.s32 v50;
	v3 =	vadd.f32 v13, v3  }
0x19e: {  	v55 =	vtrunc.f32 v44;
	v49 =	vcvt.f32.s32 v48;
	v11 =	vld.idx.msk [tilespmem:v33+s23+$0x0], $0xffff;
	v2 =	vadd.f32 v7, v2  }
0x19f: {  	v57 =	vcvt.f32.s32 v55;
	v52 =	vtrunc.f32 v41;
	v56 =	vld.idx.msk [tilespmem:v42+s23+$0x0], $0xffff;
	v3 =	vadd.f32 v8, v3  }
0x1a0: {  	v53 =	vld.idx.msk [tilespmem:v39+s23+$0x0], $0xffff;
	v54 =	vcvt.f32.s32 v52;
	v2 =	vadd.f32 v4, v2  }
0x1a1: {  	v59 =	vld.idx.msk [tilespmem:v47+s23+$0x0], $0xffff;
	v3 =	vadd.f32 v5, v3  }
0x1a2: {  	v58 =	vld.idx.msk [tilespmem:v45+s23+$0x0], $0xffff;
	v2 =	vadd.f32 v6, v2  }
0x1a3: {  	v61 =	vld.idx.msk [tilespmem:v51+s23+$0x0], $0xffff;
	v3 =	vadd.f32 v11, v3  }
0x1a4: {  	v60 =	vld.idx.msk [tilespmem:v49+s23+$0x0], $0xffff;
	v2 =	vadd.f32 v56, v2  }
0x1a5: {  	v63 =	vld.idx.msk [tilespmem:v57+s23+$0x0], $0xffff;
	v3 =	vadd.f32 v53, v3  }
0x1a6: {  	v62 =	vld.idx.msk [tilespmem:v54+s23+$0x0], $0xffff;
	v2 =	vadd.f32 v59, v2  }
0x1a7: {  	v3 =	vadd.f32 v58, v3  }
0x1a8: {  	v2 =	vadd.f32 v61, v2  }
0x1a9: {  	v3 =	vadd.f32 v60, v3  }
0x1aa: {  	v2 =	vadd.f32 v63, v2  }
0x1ab: {  	v3 =	vadd.f32 v62, v3  }
0x1ac: {  	p0 =	sne.s32 s14, $0x1;
	[tilespmem:$0x1990] =	vst v2  }
.Ltmp0:
0x1ad: {  	[tilespmem:$0x1980] =	vst v3;
	(pc) =	sbr.rel @p0 .LBB2_1-.Ltmp0, $4  }
0x1ae: {  	[hbm4b:s13+s3] =	stream.linear.scatter [tilespmem:s29], [sflag:$0x4], $0x80, $0x38;
	[tilespmem:$0x1A00] =	vst v63  }
0x1af: {  	_ =	swait.ge [sflag:s30], $0x80  }
0x1b0: {  	[sflag:s30] =	ssyncset.done $0x0  }
0x1b1: {  	s14 =	sadd.s32 $0xFFFFFFFF, s14;
	[sflag:s30] =	ssyncadd.s32 $0xFFFFFF80  }
0x1b2: {  	_ =	sfence.sel $0x180000  }
0x1b3: {  	[bflag:$0x0] =	sbarrier.arrive $0xFFFF  }
0x1b4: {  	p0 =	sne.s32 s2, $0x0;
	_ =	strace $0x90000047  }
0x1b5: {  	s0 =	sadd.s32 @!p0 $0x100000, s0;
	[bflag:$0x2] =	sbarrier.arrive $0xFFFF  }
0x1b6: {  	[sflag:s0] =	ssyncadd.tile.s32 @!p0 $0x1;
	_ =	shalt  }
.Lfunc_end2:
_tile_overlayer_lowered:
.L_overlay_start_2:
0x1b7: {  	(tag) =	ssettag $0x2  }
0x1b8: {  	s0 =	rddreg [dreg:$0x0];
	s2 =	stileid.u32  }
0x1b9: {  	s1 =	rddreg [dreg:$0x1];
	p0 =	sne.s32 s2, $0x0  }
0x1ba: {  	s3 =	rddreg [dreg:$0x2];
	[bflag:$0x3] =	sbarrier.arrive $0xFFFF;
	s2 =	simm.s32 @!p0 $0x1C04  }
0x1bb: {  	[timem:s3], [sflag:s2] =	dma.local @!p0 [hbm:s0], s1  }
0x1bc: {  	s0 =	simm.s32 @!p0 $0x4  }
0x1bd: {  	_ =	swait.ge @!p0 [sflag:s0], s1  }
0x1be: {  	s1 =	ssub.s32 @!p0 $0x0, s1;
	[sflag:s0] =	ssyncset.done @!p0 $0x0  }
0x1bf: {  	[sflag:s0] =	ssyncadd.s32 @!p0 s1  }
0x1c0: {  	[bflag:$0x3] =	sbarrier.arrive $0xFFFF  }
0x1c1: {  	_ =	shalt  }

</sc_bundles>
